<compile_context>
chip_gen: v7x
topology: tpu7x:2x2x1
jax: 0.10.2.dev20260603
libtpu: 0.0.44.dev20260713+nightly
codegen_flags: <defaults>
</compile_context>

<pallas_src>
import jax
import jax.numpy as jnp
import numpy as np
from jax import lax
from jax.experimental import pallas as pl
from jax.experimental.pallas import tpu as pltpu
from jax.experimental.pallas import tpu_sc as plsc

BATCH = 4
D_MODEL = 1024
MAX_LEN = 2048


NS = 16
L = 16

TSPLIT = 512
SC_B0 = 3
SC_NB = 1
TSLAB = 128
DG = 8
DPART = D_MODEL // DG
NG = TSLAB // L

TS = 16
NST = TSLAB // TS
DD = DPART
NCHUNKS = SC_NB


def _sc_body(q_hbm, pe_hbm, out_hbm, peT, stg0, stg1, qb0, qb1,
             sin0, sin1, sout0, sout1, sstg):
    wid = lax.axis_index("c") * NS + lax.axis_index("s")
    slab = wid // DG
    dg = wid % DG
    t0 = slab * TSLAB
    d0 = dg * DPART

    qbufs = (qb0, qb1)
    sins = (sin0, sin1)
    souts = (sout0, sout1)
    stgs = (stg0, stg1)

    def q_slice(ref, k):
        return ref.at[SC_B0 + k, pl.ds(d0, DD), pl.ds(t0, TSLAB)]

    def o_slice(ref, k):
        return ref.at[k, pl.ds(d0, DD), pl.ds(t0, TSLAB)]

    in_descs = [None] * NCHUNKS
    in_descs[0] = pltpu.async_copy(q_slice(q_hbm, 0), qb0, sin0)

    base_t = lax.iota(jnp.int32, L)
    stg_descs = [None] * NST
    stg_descs[0] = pltpu.async_copy(
        pe_hbm.at[pl.ds(t0, TS), pl.ds(d0, DPART)], stg0, sstg
    )
    for s in range(NST):
        if s + 1 < NST:
            stg_descs[s + 1] = pltpu.async_copy(
                pe_hbm.at[pl.ds(t0 + (s + 1) * TS, TS), pl.ds(d0, DPART)],
                stgs[(s + 1) % 2],
                sstg,
            )
        stg_descs[s].wait()
        stg = stgs[s % 2]

        @plsc.parallel_loop(0, DPART, unroll=8)
        def trans_body(dcol):
            didx = jnp.full((L,), dcol, dtype=jnp.int32)
            peT[dcol, pl.ds(s * TS, L)] = plsc.load_gather(stg, [base_t, didx])

    out_descs = [None] * NCHUNKS
    for k in range(NCHUNKS):
        if k + 1 < NCHUNKS:
            if k >= 1:
                out_descs[k - 1].wait()
            in_descs[k + 1] = pltpu.async_copy(
                q_slice(q_hbm, k + 1), qbufs[(k + 1) % 2], sins[(k + 1) % 2]
            )
        in_descs[k].wait()
        qbuf = qbufs[k % 2]

        @plsc.parallel_loop(0, DD, unroll=4)
        def row_body(dl):
            for tg in range(NG):
                sl = pl.ds(tg * L, L)
                plsc.addupdate(qbuf.at[dl, sl], peT[dl, sl])

        out_descs[k] = pltpu.async_copy(
            qbuf, o_slice(out_hbm, k), souts[k % 2]
        )
    for k in range(max(0, NCHUNKS - 2), NCHUNKS):
        out_descs[k].wait()


def _sc_part(q, pos_embed):
    mesh = plsc.VectorSubcoreMesh(core_axis_name="c", subcore_axis_name="s")
    return pl.kernel(
        _sc_body,
        out_type=jax.ShapeDtypeStruct((SC_NB, D_MODEL, TSPLIT), jnp.float32),
        mesh=mesh,
        scratch_types=[
            pltpu.VMEM((DPART, TSLAB), jnp.float32),
            pltpu.VMEM((TS, DPART), jnp.float32),
            pltpu.VMEM((TS, DPART), jnp.float32),
            pltpu.VMEM((DD, TSLAB), jnp.float32),
            pltpu.VMEM((DD, TSLAB), jnp.float32),
            pltpu.SemaphoreType.DMA,
            pltpu.SemaphoreType.DMA,
            pltpu.SemaphoreType.DMA,
            pltpu.SemaphoreType.DMA,
            pltpu.SemaphoreType.DMA,
        ],
        compiler_params=pltpu.CompilerParams(needs_layout_passes=False),
    )(q, pos_embed)



BD = 1024
BT = 512
_TC_BLOCKS = [
    (b, ti)
    for ti in range(MAX_LEN // BT)
    for b in range(BATCH)
    if not (ti < TSPLIT // BT and SC_B0 <= b < SC_B0 + SC_NB)
]
_B_TAB = np.array([b for b, _ in _TC_BLOCKS], dtype=np.int32)
_TI_TAB = np.array([ti for _, ti in _TC_BLOCKS], dtype=np.int32)
_FIRST_TAB = np.array(
    [1 if (i == 0 or _TC_BLOCKS[i - 1][1] != ti) else 0
     for i, (_, ti) in enumerate(_TC_BLOCKS)],
    dtype=np.int32,
)


def _tc_body(b_tab, ti_tab, first_tab, q_ref, pe_ref, o_ref, peT_ref):
    i = pl.program_id(0)

    @pl.when(first_tab[i] == 1)
    def _():
        peT_ref[...] = pe_ref[...].T

    o_ref[0] = q_ref[0] + peT_ref[...]


def _tc_part(q, pos_embed):
    grid_spec = pltpu.PrefetchScalarGridSpec(
        num_scalar_prefetch=3,
        grid=(len(_TC_BLOCKS),),
        in_specs=[
            pl.BlockSpec((1, BD, BT), lambda i, bt, tt, ft: (bt[i], 0, tt[i])),
            pl.BlockSpec((BT, BD), lambda i, bt, tt, ft: (tt[i], 0)),
        ],
        out_specs=pl.BlockSpec((1, BD, BT), lambda i, bt, tt, ft: (bt[i], 0, tt[i])),
        scratch_shapes=[pltpu.VMEM((BD, BT), jnp.float32)],
    )
    return pl.pallas_call(
        _tc_body,
        grid_spec=grid_spec,
        out_shape=jax.ShapeDtypeStruct((BATCH, D_MODEL, MAX_LEN), jnp.float32),
    )(_B_TAB, _TI_TAB, _FIRST_TAB, q, pos_embed)


@jax.jit
def _pos_encode(q, pos_embed):
    sc_out = _sc_part(q, pos_embed)
    tc_out = _tc_part(q, pos_embed)
    return lax.dynamic_update_slice(tc_out, sc_out, (SC_B0, 0, 0))


def kernel(q, pos_embed):
    return _pos_encode(q, pos_embed)

# --- scband reference (transcript-rebuilt; emitter-appended) ---
"""Pipeline reference for scband-learn-positional-encoding-52948356825826 (READ-ONLY COPY).

The authoritative reference and input builder live on the scoring server;
editing this copy changes nothing except your own understanding.
"""

import jax, jax.numpy as jnp
import numpy as np

D_MODEL = 1024
MAX_LEN = 2048
BATCH = 4

def setup_inputs(seed: int = 0) -> dict:
    key = jax.random.key(seed)
    k_q, k_emb = jax.random.split(key)
    q = jax.random.normal(k_q, (BATCH, D_MODEL, MAX_LEN), dtype=jnp.float32)
    # nn.Embedding weight with nn.init.uniform_ -> U[0, 1)
    pos_embed = jax.random.uniform(k_emb, (MAX_LEN, D_MODEL), dtype=jnp.float32)
    return {"q": q, "pos_embed": pos_embed}

def reference(q, pos_embed):
    # q: [bsz, d_model, q_frm]; pos_embed: [max_len, d_model] with q_frm == max_len
    bsz_q, d_model, q_frm = q.shape
    assert q_frm == pos_embed.shape[0]
    # q_pos = pos_embed[None].expand(bsz, q_frm, d_model).transpose(1, 2) -> [bsz, d_model, q_frm]
    q_pos = jnp.broadcast_to(pos_embed[None, :, :], (bsz_q, q_frm, d_model))
    q_pos = jnp.transpose(q_pos, (0, 2, 1))
    out = q + q_pos
    # dropout is identity in eval mode / deterministic reference
    return out

if __name__ == "__main__":
    import jax
    _d = setup_inputs()
    print(jax.jit(kernel)(*tuple(_d.values())))

</pallas_src>

<mosaic_0001>
#map = affine_map<(d0, d1) -> (0, 0, 0)>
#map1 = affine_map<(d0, d1) -> (0, 0)>
module attributes {stable_mosaic.version = 14 : i64} {
  func.func @_sc_body(%arg0: i32, %arg1: i32, %arg2: memref<4x1024x2048xf32, #tpu.memory_space<hbm>>, %arg3: memref<2048x1024xf32, #tpu.memory_space<hbm>>, %arg4: memref<1x1024x512xf32, #tpu.memory_space<hbm>>, %arg5: memref<128x128xf32, #tpu.memory_space<vmem>>, %arg6: memref<16x128xf32, #tpu.memory_space<vmem>>, %arg7: memref<16x128xf32, #tpu.memory_space<vmem>>, %arg8: memref<128x128xf32, #tpu.memory_space<vmem>>, %arg9: memref<128x128xf32, #tpu.memory_space<vmem>>, %arg10: memref<!tpu.dma_semaphore, #tpu.memory_space<semaphore_mem>>, %arg11: memref<!tpu.dma_semaphore, #tpu.memory_space<semaphore_mem>>, %arg12: memref<!tpu.dma_semaphore, #tpu.memory_space<semaphore_mem>>, %arg13: memref<!tpu.dma_semaphore, #tpu.memory_space<semaphore_mem>>, %arg14: memref<!tpu.dma_semaphore, #tpu.memory_space<semaphore_mem>>) attributes {dimension_semantics = [#tpu.dimension_semantics<core_parallel>, #tpu.dimension_semantics<subcore_parallel>], iteration_bounds = array<i64: 2, 16>, scalar_prefetch = 0 : i64, scratch_operands = 10 : i64, tpu.core_type = #tpu.core_type<sc_vector_subcore>, window_params = [{transform_indices = #map}, {transform_indices = #map1}, {transform_indices = #map}]} {
    %mul3A = arith.constant 16 : i32
    %mul3A_0 = arith.muli %arg0, %mul3A : i32
    %add3A = arith.addi %mul3A_0, %arg1 : i32
    %jit3A = arith.constant 8 : i32
    %div3A = arith.divsi %add3A, %jit3A : i32
    %sign3A = arith.constant 0 : i32
    %sign3A_1 = arith.cmpi sgt, %add3A, %sign3A : i32
    %sign3A_2 = arith.extui %sign3A_1 : i1 to i32
    %sign3A_3 = arith.constant 0 : i32
    %sign3A_4 = arith.cmpi slt, %add3A, %sign3A_3 : i32
    %sign3A_5 = arith.extui %sign3A_4 : i1 to i32
    %sign3A_6 = arith.subi %sign3A_2, %sign3A_5 : i32
    %sign3A_7 = arith.constant 0 : i32
    %sign3A_8 = arith.cmpi sgt, %jit3A, %sign3A_7 : i32
    %sign3A_9 = arith.extui %sign3A_8 : i1 to i32
    %sign3A_10 = arith.constant 0 : i32
    %sign3A_11 = arith.cmpi slt, %jit3A, %sign3A_10 : i32
    %sign3A_12 = arith.extui %sign3A_11 : i1 to i32
    %sign3A_13 = arith.subi %sign3A_9, %sign3A_12 : i32
    %ne3A = arith.cmpi ne, %sign3A_6, %sign3A_13 : i32
    %rem3A = arith.remsi %add3A, %jit3A : i32
    %ne3A_14 = arith.constant 0 : i32
    %ne3A_15 = arith.cmpi ne, %rem3A, %ne3A_14 : i32
    %and3A = arith.andi %ne3A, %ne3A_15 : i1
    %sub3A = arith.constant 1 : i32
    %sub3A_16 = arith.subi %div3A, %sub3A : i32
    %select_n3A = arith.select %and3A, %sub3A_16, %div3A : i32
    %jit3A_17 = arith.constant 8 : i32
    %eq3A = arith.constant 0 : i32
    %eq3A_18 = arith.cmpi eq, %jit3A_17, %eq3A : i32
    %jit3A_19 = arith.constant 1 : i32
    %select_n3A_20 = arith.select %eq3A_18, %jit3A_19, %jit3A_17 : i32
    %rem3A_21 = arith.remsi %add3A, %select_n3A_20 : i32
    %ne3A_22 = arith.constant 0 : i32
    %ne3A_23 = arith.cmpi ne, %rem3A_21, %ne3A_22 : i32
    %lt3A = arith.constant 0 : i32
    %lt3A_24 = arith.cmpi slt, %rem3A_21, %lt3A : i32
    %lt3A_25 = arith.constant 0 : i32
    %lt3A_26 = arith.cmpi slt, %select_n3A_20, %lt3A_25 : i32
    %ne3A_27 = arith.xori %lt3A_24, %lt3A_26 : i1
    %and3A_28 = arith.andi %ne3A_27, %ne3A_23 : i1
    %add3A_29 = arith.addi %rem3A_21, %select_n3A_20 : i32
    %select_n3A_30 = arith.select %and3A_28, %add3A_29, %rem3A_21 : i32
    %mul3A_31 = arith.constant 128 : i32
    %mul3A_32 = arith.muli %select_n3A, %mul3A_31 : i32
    %mul3A_33 = arith.constant 128 : i32
    %mul3A_34 = arith.muli %select_n3A_30, %mul3A_33 : i32
    %dma_start3A = arith.constant 3 : i32
    %dma_start3A_35 = tpu.memref_slice %arg2[%dma_start3A, %mul3A_34, %mul3A_32] : memref<4x1024x2048xf32, #tpu.memory_space<hbm>> -> memref<1x128x128xf32, #tpu.memory_space<hbm>>
    %dma_start3A_36 = tpu.memref_squeeze %dma_start3A_35 : memref<1x128x128xf32, #tpu.memory_space<hbm>> -> memref<128x128xf32, #tpu.memory_space<hbm>>
    %dma_start3A_37 = tpu.memref_slice %arg2[%dma_start3A, %mul3A_34, %mul3A_32] : memref<4x1024x2048xf32, #tpu.memory_space<hbm>> -> memref<1x128x128xf32, #tpu.memory_space<hbm>>
    %dma_start3A_38 = tpu.memref_squeeze %dma_start3A_37 : memref<1x128x128xf32, #tpu.memory_space<hbm>> -> memref<128x128xf32, #tpu.memory_space<hbm>>
    tpu.enqueue_dma source(%dma_start3A_38 : memref<128x128xf32, #tpu.memory_space<hbm>>) target(%arg8 : memref<128x128xf32, #tpu.memory_space<vmem>>) target_semaphore(%arg10 : memref<!tpu.dma_semaphore, #tpu.memory_space<semaphore_mem>>)
    %iota3A = tpu.iota {dimensions = array<i32: 0>} : vector<16xi32>
    %dma_start3A_39 = tpu.memref_slice %arg3[%mul3A_32, %mul3A_34] : memref<2048x1024xf32, #tpu.memory_space<hbm>> -> memref<16x128xf32, #tpu.memory_space<hbm>>
    %dma_start3A_40 = tpu.memref_slice %arg3[%mul3A_32, %mul3A_34] : memref<2048x1024xf32, #tpu.memory_space<hbm>> -> memref<16x128xf32, #tpu.memory_space<hbm>>
    tpu.enqueue_dma source(%dma_start3A_40 : memref<16x128xf32, #tpu.memory_space<hbm>>) target(%arg6 : memref<16x128xf32, #tpu.memory_space<vmem>>) target_semaphore(%arg14 : memref<!tpu.dma_semaphore, #tpu.memory_space<semaphore_mem>>)
    %add3A_41 = arith.constant 16 : i32
    %add3A_42 = arith.addi %mul3A_32, %add3A_41 : i32
    %dma_start3A_43 = tpu.memref_slice %arg3[%add3A_42, %mul3A_34] : memref<2048x1024xf32, #tpu.memory_space<hbm>> -> memref<16x128xf32, #tpu.memory_space<hbm>>
    %dma_start3A_44 = tpu.memref_slice %arg3[%add3A_42, %mul3A_34] : memref<2048x1024xf32, #tpu.memory_space<hbm>> -> memref<16x128xf32, #tpu.memory_space<hbm>>
    tpu.enqueue_dma source(%dma_start3A_44 : memref<16x128xf32, #tpu.memory_space<hbm>>) target(%arg7 : memref<16x128xf32, #tpu.memory_space<vmem>>) target_semaphore(%arg14 : memref<!tpu.dma_semaphore, #tpu.memory_space<semaphore_mem>>)
    %dma_wait3A = tpu.memref_slice %arg3[%mul3A_32, %mul3A_34] : memref<2048x1024xf32, #tpu.memory_space<hbm>> -> memref<16x128xf32, #tpu.memory_space<hbm>>
    %dma_wait3A_45 = tpu.memref_slice %arg3[%mul3A_32, %mul3A_34] : memref<2048x1024xf32, #tpu.memory_space<hbm>> -> memref<16x128xf32, #tpu.memory_space<hbm>>
    tpu.wait_dma2 semaphore(%arg14 : memref<!tpu.dma_semaphore, #tpu.memory_space<semaphore_mem>>) src(%dma_wait3A_45 : memref<16x128xf32, #tpu.memory_space<hbm>>) dst(%arg6 : memref<16x128xf32, #tpu.memory_space<vmem>>)
    %parallel_loop3A = arith.constant 0 : i32
    %parallel_loop3A_46 = arith.constant 128 : i32
    %parallel_loop3A_47 = arith.constant 1 : i32
    scf.for %parallel_loop3A_125 = %parallel_loop3A to %parallel_loop3A_46 step %parallel_loop3A_47  : i32 {
      %parallel_loop3A_126 = vector.broadcast %parallel_loop3A_125 : i32 to vector<16xi32>
      %parallel_loop3A_127 = tpu.vector_load_idx %arg6[%iota3A, %parallel_loop3A_126] : memref<16x128xf32, #tpu.memory_space<vmem>>[vector<16xi32>, vector<16xi32>], vector<16xf32>,
      %parallel_loop3A_128 = arith.index_cast %parallel_loop3A_125 : i32 to index
      %parallel_loop3A_129 = arith.constant 0 : index
      %parallel_loop3A_130 = tpu.vector_load %arg5[%parallel_loop3A_128, %parallel_loop3A_129] {strides = array<i32>} : memref<128x128xf32, #tpu.memory_space<vmem>>, vector<16xf32>,
      tpu.vector_store %arg5[%parallel_loop3A_128, %parallel_loop3A_129], %parallel_loop3A_127 {strides = array<i32>} : memref<128x128xf32, #tpu.memory_space<vmem>>, vector<16xf32>,
    } {sc.loop_unroll_factor = 8 : i64, sc.parallel_access}
    %add3A_48 = arith.constant 32 : i32
    %add3A_49 = arith.addi %mul3A_32, %add3A_48 : i32
    %dma_start3A_50 = tpu.memref_slice %arg3[%add3A_49, %mul3A_34] : memref<2048x1024xf32, #tpu.memory_space<hbm>> -> memref<16x128xf32, #tpu.memory_space<hbm>>
    %dma_start3A_51 = tpu.memref_slice %arg3[%add3A_49, %mul3A_34] : memref<2048x1024xf32, #tpu.memory_space<hbm>> -> memref<16x128xf32, #tpu.memory_space<hbm>>
    tpu.enqueue_dma source(%dma_start3A_51 : memref<16x128xf32, #tpu.memory_space<hbm>>) target(%arg6 : memref<16x128xf32, #tpu.memory_space<vmem>>) target_semaphore(%arg14 : memref<!tpu.dma_semaphore, #tpu.memory_space<semaphore_mem>>)
    %dma_wait3A_52 = tpu.memref_slice %arg3[%add3A_42, %mul3A_34] : memref<2048x1024xf32, #tpu.memory_space<hbm>> -> memref<16x128xf32, #tpu.memory_space<hbm>>
    %dma_wait3A_53 = tpu.memref_slice %arg3[%add3A_42, %mul3A_34] : memref<2048x1024xf32, #tpu.memory_space<hbm>> -> memref<16x128xf32, #tpu.memory_space<hbm>>
    tpu.wait_dma2 semaphore(%arg14 : memref<!tpu.dma_semaphore, #tpu.memory_space<semaphore_mem>>) src(%dma_wait3A_53 : memref<16x128xf32, #tpu.memory_space<hbm>>) dst(%arg7 : memref<16x128xf32, #tpu.memory_space<vmem>>)
    %parallel_loop3A_54 = arith.constant 0 : i32
    %parallel_loop3A_55 = arith.constant 128 : i32
    %parallel_loop3A_56 = arith.constant 1 : i32
    scf.for %parallel_loop3A_125 = %parallel_loop3A_54 to %parallel_loop3A_55 step %parallel_loop3A_56  : i32 {
      %parallel_loop3A_126 = vector.broadcast %parallel_loop3A_125 : i32 to vector<16xi32>
      %parallel_loop3A_127 = tpu.vector_load_idx %arg7[%iota3A, %parallel_loop3A_126] : memref<16x128xf32, #tpu.memory_space<vmem>>[vector<16xi32>, vector<16xi32>], vector<16xf32>,
      %parallel_loop3A_128 = arith.index_cast %parallel_loop3A_125 : i32 to index
      %parallel_loop3A_129 = arith.constant 16 : index
      %parallel_loop3A_130 = tpu.vector_load %arg5[%parallel_loop3A_128, %parallel_loop3A_129] {strides = array<i32>} : memref<128x128xf32, #tpu.memory_space<vmem>>, vector<16xf32>,
      tpu.vector_store %arg5[%parallel_loop3A_128, %parallel_loop3A_129], %parallel_loop3A_127 {strides = array<i32>} : memref<128x128xf32, #tpu.memory_space<vmem>>, vector<16xf32>,
    } {sc.loop_unroll_factor = 8 : i64, sc.parallel_access}
    %add3A_57 = arith.constant 48 : i32
    %add3A_58 = arith.addi %mul3A_32, %add3A_57 : i32
    %dma_start3A_59 = tpu.memref_slice %arg3[%add3A_58, %mul3A_34] : memref<2048x1024xf32, #tpu.memory_space<hbm>> -> memref<16x128xf32, #tpu.memory_space<hbm>>
    %dma_start3A_60 = tpu.memref_slice %arg3[%add3A_58, %mul3A_34] : memref<2048x1024xf32, #tpu.memory_space<hbm>> -> memref<16x128xf32, #tpu.memory_space<hbm>>
    tpu.enqueue_dma source(%dma_start3A_60 : memref<16x128xf32, #tpu.memory_space<hbm>>) target(%arg7 : memref<16x128xf32, #tpu.memory_space<vmem>>) target_semaphore(%arg14 : memref<!tpu.dma_semaphore, #tpu.memory_space<semaphore_mem>>)
    %dma_wait3A_61 = tpu.memref_slice %arg3[%add3A_49, %mul3A_34] : memref<2048x1024xf32, #tpu.memory_space<hbm>> -> memref<16x128xf32, #tpu.memory_space<hbm>>
    %dma_wait3A_62 = tpu.memref_slice %arg3[%add3A_49, %mul3A_34] : memref<2048x1024xf32, #tpu.memory_space<hbm>> -> memref<16x128xf32, #tpu.memory_space<hbm>>
    tpu.wait_dma2 semaphore(%arg14 : memref<!tpu.dma_semaphore, #tpu.memory_space<semaphore_mem>>) src(%dma_wait3A_62 : memref<16x128xf32, #tpu.memory_space<hbm>>) dst(%arg6 : memref<16x128xf32, #tpu.memory_space<vmem>>)
    %parallel_loop3A_63 = arith.constant 0 : i32
    %parallel_loop3A_64 = arith.constant 128 : i32
    %parallel_loop3A_65 = arith.constant 1 : i32
    scf.for %parallel_loop3A_125 = %parallel_loop3A_63 to %parallel_loop3A_64 step %parallel_loop3A_65  : i32 {
      %parallel_loop3A_126 = vector.broadcast %parallel_loop3A_125 : i32 to vector<16xi32>
      %parallel_loop3A_127 = tpu.vector_load_idx %arg6[%iota3A, %parallel_loop3A_126] : memref<16x128xf32, #tpu.memory_space<vmem>>[vector<16xi32>, vector<16xi32>], vector<16xf32>,
      %parallel_loop3A_128 = arith.index_cast %parallel_loop3A_125 : i32 to index
      %parallel_loop3A_129 = arith.constant 32 : index
      %parallel_loop3A_130 = tpu.vector_load %arg5[%parallel_loop3A_128, %parallel_loop3A_129] {strides = array<i32>} : memref<128x128xf32, #tpu.memory_space<vmem>>, vector<16xf32>,
      tpu.vector_store %arg5[%parallel_loop3A_128, %parallel_loop3A_129], %parallel_loop3A_127 {strides = array<i32>} : memref<128x128xf32, #tpu.memory_space<vmem>>, vector<16xf32>,
    } {sc.loop_unroll_factor = 8 : i64, sc.parallel_access}
    %add3A_66 = arith.constant 64 : i32
    %add3A_67 = arith.addi %mul3A_32, %add3A_66 : i32
    %dma_start3A_68 = tpu.memref_slice %arg3[%add3A_67, %mul3A_34] : memref<2048x1024xf32, #tpu.memory_space<hbm>> -> memref<16x128xf32, #tpu.memory_space<hbm>>
    %dma_start3A_69 = tpu.memref_slice %arg3[%add3A_67, %mul3A_34] : memref<2048x1024xf32, #tpu.memory_space<hbm>> -> memref<16x128xf32, #tpu.memory_space<hbm>>
    tpu.enqueue_dma source(%dma_start3A_69 : memref<16x128xf32, #tpu.memory_space<hbm>>) target(%arg6 : memref<16x128xf32, #tpu.memory_space<vmem>>) target_semaphore(%arg14 : memref<!tpu.dma_semaphore, #tpu.memory_space<semaphore_mem>>)
    %dma_wait3A_70 = tpu.memref_slice %arg3[%add3A_58, %mul3A_34] : memref<2048x1024xf32, #tpu.memory_space<hbm>> -> memref<16x128xf32, #tpu.memory_space<hbm>>
    %dma_wait3A_71 = tpu.memref_slice %arg3[%add3A_58, %mul3A_34] : memref<2048x1024xf32, #tpu.memory_space<hbm>> -> memref<16x128xf32, #tpu.memory_space<hbm>>
    tpu.wait_dma2 semaphore(%arg14 : memref<!tpu.dma_semaphore, #tpu.memory_space<semaphore_mem>>) src(%dma_wait3A_71 : memref<16x128xf32, #tpu.memory_space<hbm>>) dst(%arg7 : memref<16x128xf32, #tpu.memory_space<vmem>>)
    %parallel_loop3A_72 = arith.constant 0 : i32
    %parallel_loop3A_73 = arith.constant 128 : i32
    %parallel_loop3A_74 = arith.constant 1 : i32
    scf.for %parallel_loop3A_125 = %parallel_loop3A_72 to %parallel_loop3A_73 step %parallel_loop3A_74  : i32 {
      %parallel_loop3A_126 = vector.broadcast %parallel_loop3A_125 : i32 to vector<16xi32>
      %parallel_loop3A_127 = tpu.vector_load_idx %arg7[%iota3A, %parallel_loop3A_126] : memref<16x128xf32, #tpu.memory_space<vmem>>[vector<16xi32>, vector<16xi32>], vector<16xf32>,
      %parallel_loop3A_128 = arith.index_cast %parallel_loop3A_125 : i32 to index
      %parallel_loop3A_129 = arith.constant 48 : index
      %parallel_loop3A_130 = tpu.vector_load %arg5[%parallel_loop3A_128, %parallel_loop3A_129] {strides = array<i32>} : memref<128x128xf32, #tpu.memory_space<vmem>>, vector<16xf32>,
      tpu.vector_store %arg5[%parallel_loop3A_128, %parallel_loop3A_129], %parallel_loop3A_127 {strides = array<i32>} : memref<128x128xf32, #tpu.memory_space<vmem>>, vector<16xf32>,
    } {sc.loop_unroll_factor = 8 : i64, sc.parallel_access}
    %add3A_75 = arith.constant 80 : i32
    %add3A_76 = arith.addi %mul3A_32, %add3A_75 : i32
    %dma_start3A_77 = tpu.memref_slice %arg3[%add3A_76, %mul3A_34] : memref<2048x1024xf32, #tpu.memory_space<hbm>> -> memref<16x128xf32, #tpu.memory_space<hbm>>
    %dma_start3A_78 = tpu.memref_slice %arg3[%add3A_76, %mul3A_34] : memref<2048x1024xf32, #tpu.memory_space<hbm>> -> memref<16x128xf32, #tpu.memory_space<hbm>>
    tpu.enqueue_dma source(%dma_start3A_78 : memref<16x128xf32, #tpu.memory_space<hbm>>) target(%arg7 : memref<16x128xf32, #tpu.memory_space<vmem>>) target_semaphore(%arg14 : memref<!tpu.dma_semaphore, #tpu.memory_space<semaphore_mem>>)
    %dma_wait3A_79 = tpu.memref_slice %arg3[%add3A_67, %mul3A_34] : memref<2048x1024xf32, #tpu.memory_space<hbm>> -> memref<16x128xf32, #tpu.memory_space<hbm>>
    %dma_wait3A_80 = tpu.memref_slice %arg3[%add3A_67, %mul3A_34] : memref<2048x1024xf32, #tpu.memory_space<hbm>> -> memref<16x128xf32, #tpu.memory_space<hbm>>
    tpu.wait_dma2 semaphore(%arg14 : memref<!tpu.dma_semaphore, #tpu.memory_space<semaphore_mem>>) src(%dma_wait3A_80 : memref<16x128xf32, #tpu.memory_space<hbm>>) dst(%arg6 : memref<16x128xf32, #tpu.memory_space<vmem>>)
    %parallel_loop3A_81 = arith.constant 0 : i32
    %parallel_loop3A_82 = arith.constant 128 : i32
    %parallel_loop3A_83 = arith.constant 1 : i32
    scf.for %parallel_loop3A_125 = %parallel_loop3A_81 to %parallel_loop3A_82 step %parallel_loop3A_83  : i32 {
      %parallel_loop3A_126 = vector.broadcast %parallel_loop3A_125 : i32 to vector<16xi32>
      %parallel_loop3A_127 = tpu.vector_load_idx %arg6[%iota3A, %parallel_loop3A_126] : memref<16x128xf32, #tpu.memory_space<vmem>>[vector<16xi32>, vector<16xi32>], vector<16xf32>,
      %parallel_loop3A_128 = arith.index_cast %parallel_loop3A_125 : i32 to index
      %parallel_loop3A_129 = arith.constant 64 : index
      %parallel_loop3A_130 = tpu.vector_load %arg5[%parallel_loop3A_128, %parallel_loop3A_129] {strides = array<i32>} : memref<128x128xf32, #tpu.memory_space<vmem>>, vector<16xf32>,
      tpu.vector_store %arg5[%parallel_loop3A_128, %parallel_loop3A_129], %parallel_loop3A_127 {strides = array<i32>} : memref<128x128xf32, #tpu.memory_space<vmem>>, vector<16xf32>,
    } {sc.loop_unroll_factor = 8 : i64, sc.parallel_access}
    %add3A_84 = arith.constant 96 : i32
    %add3A_85 = arith.addi %mul3A_32, %add3A_84 : i32
    %dma_start3A_86 = tpu.memref_slice %arg3[%add3A_85, %mul3A_34] : memref<2048x1024xf32, #tpu.memory_space<hbm>> -> memref<16x128xf32, #tpu.memory_space<hbm>>
    %dma_start3A_87 = tpu.memref_slice %arg3[%add3A_85, %mul3A_34] : memref<2048x1024xf32, #tpu.memory_space<hbm>> -> memref<16x128xf32, #tpu.memory_space<hbm>>
    tpu.enqueue_dma source(%dma_start3A_87 : memref<16x128xf32, #tpu.memory_space<hbm>>) target(%arg6 : memref<16x128xf32, #tpu.memory_space<vmem>>) target_semaphore(%arg14 : memref<!tpu.dma_semaphore, #tpu.memory_space<semaphore_mem>>)
    %dma_wait3A_88 = tpu.memref_slice %arg3[%add3A_76, %mul3A_34] : memref<2048x1024xf32, #tpu.memory_space<hbm>> -> memref<16x128xf32, #tpu.memory_space<hbm>>
    %dma_wait3A_89 = tpu.memref_slice %arg3[%add3A_76, %mul3A_34] : memref<2048x1024xf32, #tpu.memory_space<hbm>> -> memref<16x128xf32, #tpu.memory_space<hbm>>
    tpu.wait_dma2 semaphore(%arg14 : memref<!tpu.dma_semaphore, #tpu.memory_space<semaphore_mem>>) src(%dma_wait3A_89 : memref<16x128xf32, #tpu.memory_space<hbm>>) dst(%arg7 : memref<16x128xf32, #tpu.memory_space<vmem>>)
    %parallel_loop3A_90 = arith.constant 0 : i32
    %parallel_loop3A_91 = arith.constant 128 : i32
    %parallel_loop3A_92 = arith.constant 1 : i32
    scf.for %parallel_loop3A_125 = %parallel_loop3A_90 to %parallel_loop3A_91 step %parallel_loop3A_92  : i32 {
      %parallel_loop3A_126 = vector.broadcast %parallel_loop3A_125 : i32 to vector<16xi32>
      %parallel_loop3A_127 = tpu.vector_load_idx %arg7[%iota3A, %parallel_loop3A_126] : memref<16x128xf32, #tpu.memory_space<vmem>>[vector<16xi32>, vector<16xi32>], vector<16xf32>,
      %parallel_loop3A_128 = arith.index_cast %parallel_loop3A_125 : i32 to index
      %parallel_loop3A_129 = arith.constant 80 : index
      %parallel_loop3A_130 = tpu.vector_load %arg5[%parallel_loop3A_128, %parallel_loop3A_129] {strides = array<i32>} : memref<128x128xf32, #tpu.memory_space<vmem>>, vector<16xf32>,
      tpu.vector_store %arg5[%parallel_loop3A_128, %parallel_loop3A_129], %parallel_loop3A_127 {strides = array<i32>} : memref<128x128xf32, #tpu.memory_space<vmem>>, vector<16xf32>,
    } {sc.loop_unroll_factor = 8 : i64, sc.parallel_access}
    %add3A_93 = arith.constant 112 : i32
    %add3A_94 = arith.addi %mul3A_32, %add3A_93 : i32
    %dma_start3A_95 = tpu.memref_slice %arg3[%add3A_94, %mul3A_34] : memref<2048x1024xf32, #tpu.memory_space<hbm>> -> memref<16x128xf32, #tpu.memory_space<hbm>>
    %dma_start3A_96 = tpu.memref_slice %arg3[%add3A_94, %mul3A_34] : memref<2048x1024xf32, #tpu.memory_space<hbm>> -> memref<16x128xf32, #tpu.memory_space<hbm>>
    tpu.enqueue_dma source(%dma_start3A_96 : memref<16x128xf32, #tpu.memory_space<hbm>>) target(%arg7 : memref<16x128xf32, #tpu.memory_space<vmem>>) target_semaphore(%arg14 : memref<!tpu.dma_semaphore, #tpu.memory_space<semaphore_mem>>)
    %dma_wait3A_97 = tpu.memref_slice %arg3[%add3A_85, %mul3A_34] : memref<2048x1024xf32, #tpu.memory_space<hbm>> -> memref<16x128xf32, #tpu.memory_space<hbm>>
    %dma_wait3A_98 = tpu.memref_slice %arg3[%add3A_85, %mul3A_34] : memref<2048x1024xf32, #tpu.memory_space<hbm>> -> memref<16x128xf32, #tpu.memory_space<hbm>>
    tpu.wait_dma2 semaphore(%arg14 : memref<!tpu.dma_semaphore, #tpu.memory_space<semaphore_mem>>) src(%dma_wait3A_98 : memref<16x128xf32, #tpu.memory_space<hbm>>) dst(%arg6 : memref<16x128xf32, #tpu.memory_space<vmem>>)
    %parallel_loop3A_99 = arith.constant 0 : i32
    %parallel_loop3A_100 = arith.constant 128 : i32
    %parallel_loop3A_101 = arith.constant 1 : i32
    scf.for %parallel_loop3A_125 = %parallel_loop3A_99 to %parallel_loop3A_100 step %parallel_loop3A_101  : i32 {
      %parallel_loop3A_126 = vector.broadcast %parallel_loop3A_125 : i32 to vector<16xi32>
      %parallel_loop3A_127 = tpu.vector_load_idx %arg6[%iota3A, %parallel_loop3A_126] : memref<16x128xf32, #tpu.memory_space<vmem>>[vector<16xi32>, vector<16xi32>], vector<16xf32>,
      %parallel_loop3A_128 = arith.index_cast %parallel_loop3A_125 : i32 to index
      %parallel_loop3A_129 = arith.constant 96 : index
      %parallel_loop3A_130 = tpu.vector_load %arg5[%parallel_loop3A_128, %parallel_loop3A_129] {strides = array<i32>} : memref<128x128xf32, #tpu.memory_space<vmem>>, vector<16xf32>,
      tpu.vector_store %arg5[%parallel_loop3A_128, %parallel_loop3A_129], %parallel_loop3A_127 {strides = array<i32>} : memref<128x128xf32, #tpu.memory_space<vmem>>, vector<16xf32>,
    } {sc.loop_unroll_factor = 8 : i64, sc.parallel_access}
    %dma_wait3A_102 = tpu.memref_slice %arg3[%add3A_94, %mul3A_34] : memref<2048x1024xf32, #tpu.memory_space<hbm>> -> memref<16x128xf32, #tpu.memory_space<hbm>>
    %dma_wait3A_103 = tpu.memref_slice %arg3[%add3A_94, %mul3A_34] : memref<2048x1024xf32, #tpu.memory_space<hbm>> -> memref<16x128xf32, #tpu.memory_space<hbm>>
    tpu.wait_dma2 semaphore(%arg14 : memref<!tpu.dma_semaphore, #tpu.memory_space<semaphore_mem>>) src(%dma_wait3A_103 : memref<16x128xf32, #tpu.memory_space<hbm>>) dst(%arg7 : memref<16x128xf32, #tpu.memory_space<vmem>>)
    %parallel_loop3A_104 = arith.constant 0 : i32
    %parallel_loop3A_105 = arith.constant 128 : i32
    %parallel_loop3A_106 = arith.constant 1 : i32
    scf.for %parallel_loop3A_125 = %parallel_loop3A_104 to %parallel_loop3A_105 step %parallel_loop3A_106  : i32 {
      %parallel_loop3A_126 = vector.broadcast %parallel_loop3A_125 : i32 to vector<16xi32>
      %parallel_loop3A_127 = tpu.vector_load_idx %arg7[%iota3A, %parallel_loop3A_126] : memref<16x128xf32, #tpu.memory_space<vmem>>[vector<16xi32>, vector<16xi32>], vector<16xf32>,
      %parallel_loop3A_128 = arith.index_cast %parallel_loop3A_125 : i32 to index
      %parallel_loop3A_129 = arith.constant 112 : index
      %parallel_loop3A_130 = tpu.vector_load %arg5[%parallel_loop3A_128, %parallel_loop3A_129] {strides = array<i32>} : memref<128x128xf32, #tpu.memory_space<vmem>>, vector<16xf32>,
      tpu.vector_store %arg5[%parallel_loop3A_128, %parallel_loop3A_129], %parallel_loop3A_127 {strides = array<i32>} : memref<128x128xf32, #tpu.memory_space<vmem>>, vector<16xf32>,
    } {sc.loop_unroll_factor = 8 : i64, sc.parallel_access}
    %dma_wait3A_107 = arith.constant 3 : i32
    %dma_wait3A_108 = tpu.memref_slice %arg2[%dma_wait3A_107, %mul3A_34, %mul3A_32] : memref<4x1024x2048xf32, #tpu.memory_space<hbm>> -> memref<1x128x128xf32, #tpu.memory_space<hbm>>
    %dma_wait3A_109 = tpu.memref_squeeze %dma_wait3A_108 : memref<1x128x128xf32, #tpu.memory_space<hbm>> -> memref<128x128xf32, #tpu.memory_space<hbm>>
    %dma_wait3A_110 = tpu.memref_slice %arg2[%dma_wait3A_107, %mul3A_34, %mul3A_32] : memref<4x1024x2048xf32, #tpu.memory_space<hbm>> -> memref<1x128x128xf32, #tpu.memory_space<hbm>>
    %dma_wait3A_111 = tpu.memref_squeeze %dma_wait3A_110 : memref<1x128x128xf32, #tpu.memory_space<hbm>> -> memref<128x128xf32, #tpu.memory_space<hbm>>
    tpu.wait_dma2 semaphore(%arg10 : memref<!tpu.dma_semaphore, #tpu.memory_space<semaphore_mem>>) src(%dma_wait3A_111 : memref<128x128xf32, #tpu.memory_space<hbm>>) dst(%arg8 : memref<128x128xf32, #tpu.memory_space<vmem>>)
    %parallel_loop3A_112 = arith.constant 0 : i32
    %parallel_loop3A_113 = arith.constant 128 : i32
    %parallel_loop3A_114 = arith.constant 1 : i32
    scf.for %parallel_loop3A_125 = %parallel_loop3A_112 to %parallel_loop3A_113 step %parallel_loop3A_114  : i32 {
      %parallel_loop3A_126 = arith.index_cast %parallel_loop3A_125 : i32 to index
      %parallel_loop3A_127 = arith.constant 0 : index
      %parallel_loop3A_128 = tpu.vector_load %arg5[%parallel_loop3A_126, %parallel_loop3A_127] {strides = array<i32>} : memref<128x128xf32, #tpu.memory_space<vmem>>, vector<16xf32>,
      %parallel_loop3A_129 = arith.index_cast %parallel_loop3A_125 : i32 to index
      %parallel_loop3A_130 = arith.constant 0 : index
      %parallel_loop3A_131 = tpu.vector_load %arg8[%parallel_loop3A_129, %parallel_loop3A_130] {strides = array<i32>} : memref<128x128xf32, #tpu.memory_space<vmem>>, vector<16xf32>,
      tpu.vector_store %arg8[%parallel_loop3A_129, %parallel_loop3A_130], %parallel_loop3A_128 {add = true, strides = array<i32>} : memref<128x128xf32, #tpu.memory_space<vmem>>, vector<16xf32>,
      %parallel_loop3A_132 = arith.index_cast %parallel_loop3A_125 : i32 to index
      %parallel_loop3A_133 = arith.constant 16 : index
      %parallel_loop3A_134 = tpu.vector_load %arg5[%parallel_loop3A_132, %parallel_loop3A_133] {strides = array<i32>} : memref<128x128xf32, #tpu.memory_space<vmem>>, vector<16xf32>,
      %parallel_loop3A_135 = arith.index_cast %parallel_loop3A_125 : i32 to index
      %parallel_loop3A_136 = arith.constant 16 : index
      %parallel_loop3A_137 = tpu.vector_load %arg8[%parallel_loop3A_135, %parallel_loop3A_136] {strides = array<i32>} : memref<128x128xf32, #tpu.memory_space<vmem>>, vector<16xf32>,
      tpu.vector_store %arg8[%parallel_loop3A_135, %parallel_loop3A_136], %parallel_loop3A_134 {add = true, strides = array<i32>} : memref<128x128xf32, #tpu.memory_space<vmem>>, vector<16xf32>,
      %parallel_loop3A_138 = arith.index_cast %parallel_loop3A_125 : i32 to index
      %parallel_loop3A_139 = arith.constant 32 : index
      %parallel_loop3A_140 = tpu.vector_load %arg5[%parallel_loop3A_138, %parallel_loop3A_139] {strides = array<i32>} : memref<128x128xf32, #tpu.memory_space<vmem>>, vector<16xf32>,
      %parallel_loop3A_141 = arith.index_cast %parallel_loop3A_125 : i32 to index
      %parallel_loop3A_142 = arith.constant 32 : index
      %parallel_loop3A_143 = tpu.vector_load %arg8[%parallel_loop3A_141, %parallel_loop3A_142] {strides = array<i32>} : memref<128x128xf32, #tpu.memory_space<vmem>>, vector<16xf32>,
      tpu.vector_store %arg8[%parallel_loop3A_141, %parallel_loop3A_142], %parallel_loop3A_140 {add = true, strides = array<i32>} : memref<128x128xf32, #tpu.memory_space<vmem>>, vector<16xf32>,
      %parallel_loop3A_144 = arith.index_cast %parallel_loop3A_125 : i32 to index
      %parallel_loop3A_145 = arith.constant 48 : index
      %parallel_loop3A_146 = tpu.vector_load %arg5[%parallel_loop3A_144, %parallel_loop3A_145] {strides = array<i32>} : memref<128x128xf32, #tpu.memory_space<vmem>>, vector<16xf32>,
      %parallel_loop3A_147 = arith.index_cast %parallel_loop3A_125 : i32 to index
      %parallel_loop3A_148 = arith.constant 48 : index
      %parallel_loop3A_149 = tpu.vector_load %arg8[%parallel_loop3A_147, %parallel_loop3A_148] {strides = array<i32>} : memref<128x128xf32, #tpu.memory_space<vmem>>, vector<16xf32>,
      tpu.vector_store %arg8[%parallel_loop3A_147, %parallel_loop3A_148], %parallel_loop3A_146 {add = true, strides = array<i32>} : memref<128x128xf32, #tpu.memory_space<vmem>>, vector<16xf32>,
      %parallel_loop3A_150 = arith.index_cast %parallel_loop3A_125 : i32 to index
      %parallel_loop3A_151 = arith.constant 64 : index
      %parallel_loop3A_152 = tpu.vector_load %arg5[%parallel_loop3A_150, %parallel_loop3A_151] {strides = array<i32>} : memref<128x128xf32, #tpu.memory_space<vmem>>, vector<16xf32>,
      %parallel_loop3A_153 = arith.index_cast %parallel_loop3A_125 : i32 to index
      %parallel_loop3A_154 = arith.constant 64 : index
      %parallel_loop3A_155 = tpu.vector_load %arg8[%parallel_loop3A_153, %parallel_loop3A_154] {strides = array<i32>} : memref<128x128xf32, #tpu.memory_space<vmem>>, vector<16xf32>,
      tpu.vector_store %arg8[%parallel_loop3A_153, %parallel_loop3A_154], %parallel_loop3A_152 {add = true, strides = array<i32>} : memref<128x128xf32, #tpu.memory_space<vmem>>, vector<16xf32>,
      %parallel_loop3A_156 = arith.index_cast %parallel_loop3A_125 : i32 to index
      %parallel_loop3A_157 = arith.constant 80 : index
      %parallel_loop3A_158 = tpu.vector_load %arg5[%parallel_loop3A_156, %parallel_loop3A_157] {strides = array<i32>} : memref<128x128xf32, #tpu.memory_space<vmem>>, vector<16xf32>,
      %parallel_loop3A_159 = arith.index_cast %parallel_loop3A_125 : i32 to index
      %parallel_loop3A_160 = arith.constant 80 : index
      %parallel_loop3A_161 = tpu.vector_load %arg8[%parallel_loop3A_159, %parallel_loop3A_160] {strides = array<i32>} : memref<128x128xf32, #tpu.memory_space<vmem>>, vector<16xf32>,
      tpu.vector_store %arg8[%parallel_loop3A_159, %parallel_loop3A_160], %parallel_loop3A_158 {add = true, strides = array<i32>} : memref<128x128xf32, #tpu.memory_space<vmem>>, vector<16xf32>,
      %parallel_loop3A_162 = arith.index_cast %parallel_loop3A_125 : i32 to index
      %parallel_loop3A_163 = arith.constant 96 : index
      %parallel_loop3A_164 = tpu.vector_load %arg5[%parallel_loop3A_162, %parallel_loop3A_163] {strides = array<i32>} : memref<128x128xf32, #tpu.memory_space<vmem>>, vector<16xf32>,
      %parallel_loop3A_165 = arith.index_cast %parallel_loop3A_125 : i32 to index
      %parallel_loop3A_166 = arith.constant 96 : index
      %parallel_loop3A_167 = tpu.vector_load %arg8[%parallel_loop3A_165, %parallel_loop3A_166] {strides = array<i32>} : memref<128x128xf32, #tpu.memory_space<vmem>>, vector<16xf32>,
      tpu.vector_store %arg8[%parallel_loop3A_165, %parallel_loop3A_166], %parallel_loop3A_164 {add = true, strides = array<i32>} : memref<128x128xf32, #tpu.memory_space<vmem>>, vector<16xf32>,
      %parallel_loop3A_168 = arith.index_cast %parallel_loop3A_125 : i32 to index
      %parallel_loop3A_169 = arith.constant 112 : index
      %parallel_loop3A_170 = tpu.vector_load %arg5[%parallel_loop3A_168, %parallel_loop3A_169] {strides = array<i32>} : memref<128x128xf32, #tpu.memory_space<vmem>>, vector<16xf32>,
      %parallel_loop3A_171 = arith.index_cast %parallel_loop3A_125 : i32 to index
      %parallel_loop3A_172 = arith.constant 112 : index
      %parallel_loop3A_173 = tpu.vector_load %arg8[%parallel_loop3A_171, %parallel_loop3A_172] {strides = array<i32>} : memref<128x128xf32, #tpu.memory_space<vmem>>, vector<16xf32>,
      tpu.vector_store %arg8[%parallel_loop3A_171, %parallel_loop3A_172], %parallel_loop3A_170 {add = true, strides = array<i32>} : memref<128x128xf32, #tpu.memory_space<vmem>>, vector<16xf32>,
    } {sc.loop_unroll_factor = 4 : i64, sc.parallel_access}
    %dma_start3A_115 = arith.constant 0 : i32
    %dma_start3A_116 = tpu.memref_slice %arg4[%dma_start3A_115, %mul3A_34, %mul3A_32] : memref<1x1024x512xf32, #tpu.memory_space<hbm>> -> memref<1x128x128xf32, #tpu.memory_space<hbm>>
    %dma_start3A_117 = tpu.memref_squeeze %dma_start3A_116 : memref<1x128x128xf32, #tpu.memory_space<hbm>> -> memref<128x128xf32, #tpu.memory_space<hbm>>
    %dma_start3A_118 = tpu.memref_slice %arg4[%dma_start3A_115, %mul3A_34, %mul3A_32] : memref<1x1024x512xf32, #tpu.memory_space<hbm>> -> memref<1x128x128xf32, #tpu.memory_space<hbm>>
    %dma_start3A_119 = tpu.memref_squeeze %dma_start3A_118 : memref<1x128x128xf32, #tpu.memory_space<hbm>> -> memref<128x128xf32, #tpu.memory_space<hbm>>
    tpu.enqueue_dma source(%arg8 : memref<128x128xf32, #tpu.memory_space<vmem>>) target(%dma_start3A_119 : memref<128x128xf32, #tpu.memory_space<hbm>>) target_semaphore(%arg12 : memref<!tpu.dma_semaphore, #tpu.memory_space<semaphore_mem>>)
    %dma_wait3A_120 = arith.constant 0 : i32
    %dma_wait3A_121 = tpu.memref_slice %arg4[%dma_wait3A_120, %mul3A_34, %mul3A_32] : memref<1x1024x512xf32, #tpu.memory_space<hbm>> -> memref<1x128x128xf32, #tpu.memory_space<hbm>>
    %dma_wait3A_122 = tpu.memref_squeeze %dma_wait3A_121 : memref<1x128x128xf32, #tpu.memory_space<hbm>> -> memref<128x128xf32, #tpu.memory_space<hbm>>
    %dma_wait3A_123 = tpu.memref_slice %arg4[%dma_wait3A_120, %mul3A_34, %mul3A_32] : memref<1x1024x512xf32, #tpu.memory_space<hbm>> -> memref<1x128x128xf32, #tpu.memory_space<hbm>>
    %dma_wait3A_124 = tpu.memref_squeeze %dma_wait3A_123 : memref<1x128x128xf32, #tpu.memory_space<hbm>> -> memref<128x128xf32, #tpu.memory_space<hbm>>
    tpu.wait_dma2 semaphore(%arg12 : memref<!tpu.dma_semaphore, #tpu.memory_space<semaphore_mem>>) src(%arg8 : memref<128x128xf32, #tpu.memory_space<vmem>>) dst(%dma_wait3A_124 : memref<128x128xf32, #tpu.memory_space<hbm>>)
    return
  }
}

module attributes {stable_mosaic.version = 14 : i64} {
  func.func @_tc_body(%arg0: i32, %arg1: memref<15xi32, #tpu.memory_space<smem>>, %arg2: memref<15xi32, #tpu.memory_space<smem>>, %arg3: memref<15xi32, #tpu.memory_space<smem>>, %arg4: memref<1x1024x512xf32, #tpu.memory_space<vmem>>, %arg5: memref<512x1024xf32, #tpu.memory_space<vmem>>, %arg6: memref<1x1024x512xf32, #tpu.memory_space<vmem>>, %arg7: memref<1024x512xf32, #tpu.memory_space<vmem>>) attributes {dimension_semantics = [#tpu.dimension_semantics<arbitrary>], iteration_bounds = array<i64: 15>, scalar_prefetch = 3 : i64, scratch_operands = 1 : i64, tpu.core_type = #tpu.core_type<tc>, window_params = [{transform_indices = @transform_0, window_bounds = array<i64: 1, 1024, 512>}, {transform_indices = @transform_1, window_bounds = array<i64: 512, 1024>}, {transform_indices = @transform_2, window_bounds = array<i64: 1, 1024, 512>}]} {
    %get3A = arith.index_cast %arg0 : i32 to index
    %get3A_0 = memref.load %arg3[%get3A] : memref<15xi32, #tpu.memory_space<smem>>
    %eq3A = arith.constant 1 : i32
    %eq3A_1 = arith.cmpi eq, %get3A_0, %eq3A : i32
    %convert_element_type3A = arith.extui %eq3A_1 : i1 to i32
    %cond3A = arith.constant 0 : i32
    %cond3A_2 = arith.cmpi ne, %convert_element_type3A, %cond3A : i32
    scf.if %cond3A_2 {
      %get3A_16 = arith.constant 0 : index
      %get3A_17 = arith.constant 0 : index
      %get3A_18 = vector.load %arg5[%get3A_16, %get3A_17] : memref<512x1024xf32, #tpu.memory_space<vmem>>, vector<512x1024xf32>
      %transpose3A = tpu.transpose %get3A_18, [1, 0] : vector<512x1024xf32> -> vector<1024x512xf32>
      %swap3A_19 = arith.constant 0 : index
      %swap3A_20 = arith.constant 0 : index
      %swap3A_21 = vector.load %arg7[%swap3A_19, %swap3A_20] : memref<1024x512xf32, #tpu.memory_space<vmem>>, vector<1024x512xf32>
      tpu.vector_store %arg7[%swap3A_19, %swap3A_20], %transpose3A {strides = array<i32>} : memref<1024x512xf32, #tpu.memory_space<vmem>>, vector<1024x512xf32>,
    } else {
    }
    %get3A_3 = arith.constant 0 : index
    %get3A_4 = arith.constant 0 : index
    %get3A_5 = arith.constant 0 : index
    %get3A_6 = vector.load %arg4[%get3A_3, %get3A_4, %get3A_5] : memref<1x1024x512xf32, #tpu.memory_space<vmem>>, vector<1x1024x512xf32>
    %get3A_7 = vector.shape_cast %get3A_6 : vector<1x1024x512xf32> to vector<1024x512xf32>
    %get3A_8 = arith.constant 0 : index
    %get3A_9 = arith.constant 0 : index
    %get3A_10 = vector.load %arg7[%get3A_8, %get3A_9] : memref<1024x512xf32, #tpu.memory_space<vmem>>, vector<1024x512xf32>
    %add3A = arith.addf %get3A_7, %get3A_10 : vector<1024x512xf32>
    %swap3A = arith.constant 0 : index
    %swap3A_11 = arith.constant 0 : index
    %swap3A_12 = arith.constant 0 : index
    %swap3A_13 = vector.load %arg6[%swap3A, %swap3A_11, %swap3A_12] : memref<1x1024x512xf32, #tpu.memory_space<vmem>>, vector<1x1024x512xf32>
    %swap3A_14 = vector.shape_cast %swap3A_13 : vector<1x1024x512xf32> to vector<1024x512xf32>
    %swap3A_15 = vector.shape_cast %add3A : vector<1024x512xf32> to vector<1x1024x512xf32>
    tpu.vector_store %arg6[%swap3A, %swap3A_11, %swap3A_12], %swap3A_15 {strides = array<i32>} : memref<1x1024x512xf32, #tpu.memory_space<vmem>>, vector<1x1024x512xf32>,
    return
  }
  func.func @transform_0(%arg0: i32, %arg1: memref<15xi32, #tpu.memory_space<smem>>, %arg2: memref<15xi32, #tpu.memory_space<smem>>, %arg3: memref<15xi32, #tpu.memory_space<smem>>) -> (i32, i32, i32) {
    %get3A = arith.index_cast %arg0 : i32 to index
    %get3A_0 = memref.load %arg1[%get3A] : memref<15xi32, #tpu.memory_space<smem>>
    %get3A_1 = arith.index_cast %arg0 : i32 to index
    %get3A_2 = memref.load %arg2[%get3A_1] : memref<15xi32, #tpu.memory_space<smem>>
    %c0_i32 = arith.constant 0 : i32
    %c0_i32_3 = arith.constant 0 : i32
    return %get3A_0, %c0_i32, %get3A_2 : i32, i32, i32
  }
  func.func @transform_1(%arg0: i32, %arg1: memref<15xi32, #tpu.memory_space<smem>>, %arg2: memref<15xi32, #tpu.memory_space<smem>>, %arg3: memref<15xi32, #tpu.memory_space<smem>>) -> (i32, i32) {
    %get3A = arith.index_cast %arg0 : i32 to index
    %get3A_0 = memref.load %arg2[%get3A] : memref<15xi32, #tpu.memory_space<smem>>
    %c0_i32 = arith.constant 0 : i32
    %c0_i32_1 = arith.constant 0 : i32
    return %get3A_0, %c0_i32 : i32, i32
  }
  func.func @transform_2(%arg0: i32, %arg1: memref<15xi32, #tpu.memory_space<smem>>, %arg2: memref<15xi32, #tpu.memory_space<smem>>, %arg3: memref<15xi32, #tpu.memory_space<smem>>) -> (i32, i32, i32) {
    %get3A = arith.index_cast %arg0 : i32 to index
    %get3A_0 = memref.load %arg1[%get3A] : memref<15xi32, #tpu.memory_space<smem>>
    %get3A_1 = arith.index_cast %arg0 : i32 to index
    %get3A_2 = memref.load %arg2[%get3A_1] : memref<15xi32, #tpu.memory_space<smem>>
    %c0_i32 = arith.constant 0 : i32
    %c0_i32_3 = arith.constant 0 : i32
    return %get3A_0, %c0_i32, %get3A_2 : i32, i32, i32
  }
}

</mosaic_0001>

<sc_bundles>
// kernel: _pos_encode.4.cloned.1.call-start
scs
__scs_entry_jumppad:
0x0: {  	(pc) =	sbr.rel $0x88, $3  }
0x1: {  	(tag) =	ssettag $0x0;
	lr =	simm.s32 $0x1  }
0x2: {  	[smem:$0x3F9F] =	sst lr;
	_ =	strace $0xD0000000  }
0x3: {  	_ = 	snop  }
0x4: {  	_ = 	snop  }
0x5: {  	_ = 	snop  }
0x6: {  	_ = 	snop  }
0x7: {  	_ = 	snop  }
__scs_overlays_trampoline_lowered:
0x8: {  	[smem:$0x3FAE] =	sst s0  }
0x9: {  	[smem:$0x3FAF] =	sst s1  }
0xa: {  	[smem:$0x3FB0] =	sst s2  }
0xb: {  	[smem:$0x3FB1] =	sst s3  }
0xc: {  	[smem:$0x3FB2] =	sst s4  }
0xd: {  	[smem:$0x3FB3] =	sst s5  }
0xe: {  	[smem:$0x3FB4] =	sst s6  }
0xf: {  	[smem:$0x3FB5] =	sst s7  }
0x10: {  	[smem:$0x3FB6] =	sst s8  }
0x11: {  	[smem:$0x3FB7] =	sst s9;
	s0 =	simm.s32 @!p0 $0x0  }
0x12: {  	s1 =	sld [smem:$0x3F9D];
	s0 =	simm.s32 @p0 $0x1  }
0x13: {  	[smem:$0x3FB8] =	sst s0;
	s0 =	simm.s32 @!p1 $0x0  }
0x14: {  	s2 =	sld [smem:$0x3F9C];
	s0 =	simm.s32 @p1 $0x1  }
0x15: {  	[smem:$0x3FB9] =	sst s0;
	s0 =	simm.s32 @!p2 $0x0  }
0x16: {  	s3 =	sld [smem:$0x3FDB];
	s0 =	simm.s32 @p2 $0x1  }
0x17: {  	s4 =	simm.s32 $0x1BF5;
	[smem:$0x3FBB] =	sst s0  }
0x18: {  	s0 =	sld [smem:$0x3F9E];
	_ =	swait.ge [sflag:s4], $0x0  }
0x19: {  	s7 =	sld [smem:$0x3F9F]  }
0x1a: {  	s8 =	sadd.s32 $0xFFFFE003, lr  }
0x1b: {  	s9 =	sadd.s32 $0xFFFFFEF7, lr;
	s5 =	simm.s32 $0xFFFFFFFF;
	p2 =	slt.u32 s8, $0xFFFFF086  }
0x1c: {  	p1 =	slt.u32 s9, $0xF7A;
	s5 =	simm.s32 @!p2 $0x0  }
0x1d: {  	s5 =	simm.s32 @p1 $0x1;
	p0 =	seq.s32 s7, s2  }
0x1e: {  	s7 =	smul.u32 @!p0 $0xF7A, s2;
	p2 =	seq.s32 @!p0 s5, $0x0  }
0x1f: {  	s9 =	smul.u32 $0xF7A, s1;
	s8 =	simm.s32 @!p0 $0x1BF5;
	p2 =	por !p2, p0  }
0x20: {  	[sflag:s8] =	ssyncset.s32 @!p0 $0xFFFFF086;
	s6 =	sadd.s32 @!p0 s3, s7;
	s7 =	simm.s32 @!p0 $0x108  }
0x21: {  	s3 =	sadd.s32 s3, s9;
	s6 =	sadd.s32 @!p0 $0x88, s6;
	s7 =	simm.s32 @p2 $0x1082  }
0x22: {  	[simem:s7], [sflag:s8] =	dma.local @!p0 [hbm:s6], $0xF7A  }
0x23: {  	s9 =	sor.u32 $0xD0000000, s2;
	s6 =	simm.s32 $0x108;
	_ =	swait.ge @!p0 [sflag:s8], $0x0  }
0x24: {  	s3 =	sadd.s32 $0x88, s3;
	s6 =	simm.s32 @!p1 $0x1082;
	[sflag:s4] =	ssyncset.s32 $0xFFFFF086  }
0x25: {  	[simem:s6], [sflag:s4] =	dma.local [hbm:s3], $0xF7A  }
0x26: {  	[smem:$0x3F9F] =	sst s1;
	(tag) =	ssettag s2;
	_ =	strace s9  }
0x27: {  	s1 =	sld [smem:$0x3FAF]  }
0x28: {  	s2 =	sld [smem:$0x3FB0]  }
0x29: {  	s4 =	sld [smem:$0x3FB2]  }
0x2a: {  	p0 =	seq.s32 s5, $0x0;
	s5 =	sld [smem:$0x3FB3]  }
0x2b: {  	s6 =	sld [smem:$0x3FB4]  }
0x2c: {  	s7 =	sld [smem:$0x3FB5]  }
0x2d: {  	s3 =	simm.s32 $0x108;
	s8 =	sld [smem:$0x3FB6]  }
0x2e: {  	s3 =	simm.s32 @!p0 $0x1082;
	s9 =	sld [smem:$0x3FB7]  }
0x2f: {  	lr =	sadd.s32 s0, s3;
	s0 =	sld [smem:$0x3FAE]  }
0x30: {  	s3 =	sld [smem:$0x3FB1]  }
0x31: {  	[smem:$0x3FBA] =	sst s10  }
0x32: {  	s10 =	sld [smem:$0x3FB8];
	_ =	sdelay $0x3  }
0x33: {  	p0 =	seq.s32 s10, $0x1;
	s10 =	sld [smem:$0x3FBA];
	_ =	sdelay $0x3  }
0x34: {  	[smem:$0x3FBA] =	sst s10  }
0x35: {  	s10 =	sld [smem:$0x3FB9];
	_ =	sdelay $0x3  }
0x36: {  	p1 =	seq.s32 s10, $0x1;
	s10 =	sld [smem:$0x3FBA];
	_ =	sdelay $0x3  }
0x37: {  	[smem:$0x3FBA] =	sst s10  }
0x38: {  	s10 =	sld [smem:$0x3FBB]  }
0x39: {  	_ = 	snop;
	(pc) =	sbr.ind lr, $3  }
0x3a: {  	_ = 	snop  }
0x3b: {  	_ = 	snop  }
0x3c: {  	p2 =	seq.s32 s10, $0x1;
	s10 =	sld [smem:$0x3FBA]  }
0x3d: {  	_ =	shalt  }
0x3e: {  	_ =	shalt  }
0x3f: {  	_ =	shalt  }
0x40: {  	_ =	shalt  }
0x41: {  	_ =	shalt  }
0x42: {  	_ =	shalt  }
0x43: {  	_ =	shalt  }
0x44: {  	_ =	shalt  }
0x45: {  	_ =	shalt  }
0x46: {  	_ =	shalt  }
0x47: {  	_ =	shalt  }
0x48: {  	_ =	shalt  }
0x49: {  	_ =	shalt  }
0x4a: {  	_ =	shalt  }
0x4b: {  	_ =	shalt  }
0x4c: {  	_ =	shalt  }
0x4d: {  	_ =	shalt  }
0x4e: {  	_ =	shalt  }
0x4f: {  	_ =	shalt  }
0x50: {  	_ =	shalt  }
0x51: {  	_ =	shalt  }
0x52: {  	_ =	shalt  }
0x53: {  	_ =	shalt  }
0x54: {  	_ =	shalt  }
0x55: {  	_ =	shalt  }
0x56: {  	_ =	shalt  }
0x57: {  	_ =	shalt  }
0x58: {  	_ =	shalt  }
0x59: {  	_ =	shalt  }
0x5a: {  	_ =	shalt  }
0x5b: {  	_ =	shalt  }
0x5c: {  	_ =	shalt  }
0x5d: {  	_ =	shalt  }
0x5e: {  	_ =	shalt  }
0x5f: {  	_ =	shalt  }
0x60: {  	_ =	shalt  }
0x61: {  	_ =	shalt  }
0x62: {  	_ =	shalt  }
0x63: {  	_ =	shalt  }
0x64: {  	_ =	shalt  }
0x65: {  	_ =	shalt  }
0x66: {  	_ =	shalt  }
0x67: {  	_ =	shalt  }
0x68: {  	_ =	shalt  }
0x69: {  	_ =	shalt  }
0x6a: {  	_ =	shalt  }
0x6b: {  	_ =	shalt  }
0x6c: {  	_ =	shalt  }
0x6d: {  	_ =	shalt  }
0x6e: {  	_ =	shalt  }
0x6f: {  	_ =	shalt  }
0x70: {  	_ =	shalt  }
0x71: {  	_ =	shalt  }
0x72: {  	_ =	shalt  }
0x73: {  	_ =	shalt  }
0x74: {  	_ =	shalt  }
0x75: {  	_ =	shalt  }
0x76: {  	_ =	shalt  }
0x77: {  	_ =	shalt  }
0x78: {  	_ =	shalt  }
0x79: {  	_ =	shalt  }
0x7a: {  	_ =	shalt  }
0x7b: {  	_ =	shalt  }
0x7c: {  	_ =	shalt  }
0x7d: {  	_ =	shalt  }
0x7e: {  	_ =	shalt  }
0x7f: {  	_ =	shalt  }
0x80: {  	_ =	shalt  }
0x81: {  	_ =	shalt  }
0x82: {  	_ =	shalt  }
0x83: {  	_ =	shalt  }
0x84: {  	_ =	shalt  }
0x85: {  	_ =	shalt  }
0x86: {  	_ =	shalt  }
0x87: {  	_ =	shalt  }
.Lfunc_end0:
.L_simem_size_0:
called_computation_lowered:
.L_overlay_start_0:
0x88: {  	s2 =	sld [smem:$0x3FD9]  }
0x89: {  	s3 =	sld [smem:$0x3FFE];
	_ =	sdelay $0x1  }
0x8a: {  	s1 =	srdreg.scid  }
0x8b: {  	s0 =	sand.u32 $0x1, s1  }
0x8c: {  	s17 =	sshll.u32 s0, $0xA;
	s2 =	sadd.s32 s3, s2  }
0x8d: {  	s2 =	sadd.s32 s2, s17  }
0x8e: {  	[smem:$0x3FC6] =	sst s2  }
0x8f: {  	_ = 	snop  }
0x90: {  	s2 =	sld [smem:$0x3FC9]  }
0x91: {  	s18 =	sld [smem:$0x3FC8];
	(tm) =	ssettm $0x1  }
0x92: {  	s4 =	sld [smem:$0x3FFB];
	_ =	sdelay $0x3  }
0x93: {  	_ =	strace s4  }
0x94: {  	s4 =	sld [smem:$0x3FFC];
	_ =	sdelay $0x3  }
0x95: {  	_ =	strace s4  }
0x96: {  	s4 =	sld [smem:$0x3FFD];
	_ =	sdelay $0x3  }
0x97: {  	_ =	strace s4  }
0x98: {  	_ =	strace $0x8FFFFFFF  }
0x99: {  	s19 =	sld [smem:$0x3FDB];
	_ =	sdelay $0x1  }
0x9a: {  	s5 =	simm.s32 $_scs_section_size  }
0x9b: {  	s6 =	simm.s32 $_size__tile_overlayer_lowered;
	s7 =	simm.s32 $_tile_overlayer_lowered  }
0x9c: {  	s22 =	simm.s32 $0x1BFF;
	s21 =	sshll.u32 s7, $0x1;
	s4 =	sadd.s32 s5, s19  }
0x9d: {  	s8 =	simm.s32 $0x0;
	s20 =	sshll.u32 s6, $0x1;
	s6 =	sadd.s32 s21, s4  }
0x9e: {  	[timem:s8], [sflag:s22] =	dma.local [hbm:s6], s20  }
0x9f: {  	_ =	swait.ge [sflag:s22], s20  }
0xa0: {  	s5 =	ssub.s32 $0x0, s20;
	[sflag:s22] =	ssyncset.done $0x0  }
0xa1: {  	[sflag:s22] =	ssyncadd.s32 s5;
	_ =	sdelay $0x1  }
0xa2: {  	s23 =	simm.s32 $0x1B8B  }
0xa3: {  	_ =	swait.ge [sflag:s23], $0x1  }
0xa4: {  	[sflag:s23] =	ssyncset.done $0x0  }
0xa5: {  	s25 =	simm.s32 $0x1B8E;
	s24 =	sld [smem:$0x3FFE];
	[sflag:s23] =	ssyncadd.s32 $0xFFFFFFFF  }
0xa6: {  	s26 =	simm.s32 $execute0_lowered;
	[smem:$0x3FD2] =	sst s25  }
0xa7: {  	s6 =	sshll.u32 s26, $0x1;
	_ =	strace $0x80000046;
	[dreg:$0x1] =	wrdreg $0xFFFFFFFF  }
0xa8: {  	s28 =	simm.s32 $_size_execute0_lowered;
	s4 =	sadd.s32 s4, s6;
	[dreg:$0x0] =	wrdreg $0x0  }
0xa9: {  	s6 =	sshll.u32 s28, $0x1;
	[dreg:$0x2] =	wrdreg s4  }
0xaa: {  	[dreg:$0x3] =	wrdreg s6  }
0xab: {  	[dreg:$0x4] =	wrdreg $0xC0  }
0xac: {  	_ =	task [dreg:s8], $0x5FFFF  }
0xad: {  	[dreg:$0x1] =	wrdreg $0xFFFFFFFF  }
0xae: {  	[dreg:$0x0] =	wrdreg $0x60  }
0xaf: {  	[dreg:$0x2] =	wrdreg s2  }
0xb0: {  	[dreg:$0x3] =	wrdreg s18  }
0xb1: {  	[dreg:$0x4] =	wrdreg s24  }
0xb2: {  	[dreg:$0x5] =	wrdreg $0x9  }
0xb3: {  	_ =	task.clear_ibuf [dreg:s8], $0x6FFFF;
	_ =	strace $0x90000046  }
0xb4: {  	s29 =	simm.s32 $0x9;
	_ =	strace $0x80000048  }
0xb5: {  	_ =	swait.ge [sflag:s29], $0x1  }
0xb6: {  	[sflag:s29] =	ssyncadd.s32 $0xFFFFFFFF  }
0xb7: {  	_ =	strace $0x90000048  }
0xb8: {  	_ =	sfence  }
0xb9: {  	s30 =	sld [smem:$0x0];
	_ =	sdelay $0x2  }
0xba: {  	s31 =	sshll.u32 s1, $0xD;
	s1 =	sshrl.u32 s1, $0x2  }
0xbb: {  	s3 =	sand.u32 $0x4000, s31;
	s1 =	sadd.s32 s1, s30  }
0xbc: {  	s0 =	sor.u32 s3, s0;
	s1 =	sshll.u32 s1, $0x11  }
0xbd: {  	s0 =	sor.u32 s1, s0  }
0xbe: {  	s0 =	sadd.s32 $0x8F2B, s0  }
0xbf: {  	[sflag:s0] =	ssyncadd.remote.s32 $0x1  }
0xc0: {  	_ =	sfence.sel $0xFFFF  }
0xc1: {  	[dreg:$0x0] =	wrdreg $0xFFFFFFFF;
	(pc) =	sbr.abs _section_cstart, $3  }
0xc2: {  	[dreg:$0x1] =	wrdreg $0xFFFFFFFF  }
0xc3: {  	_ =	task.clear_ibuf [dreg:s8], $0x2FFFF;
	_ =	strace $0x9FFFFFFF  }
0xc4: {  	(tm) =	ssettm $0x7FFFFFFF  }
0xc5: {  	_ =	shalt  }
tec
execute0_lowered:
.L_overlay_start_1:
0x0: {  	(tag) =	ssettag $0x1  }
0x1: {  	s6 =	rddreg [dreg:$0x0]  }
0x2: {  	s0 =	srdreg.scid;
	s7 =	rddreg [dreg:$0x1];
	s2 =	simm.s32 $0x1  }
0x3: {  	s8 =	rddreg [dreg:$0x2];
	s15 =	simm.s32 $0x400;
	s16 =	simm.s32 $0x4000  }
0x4: {  	s17 =	simm.s32 $0x5000;
	s18 =	simm.s32 $0x2000;
	s19 =	simm.s32 $0x4800  }
0x5: {  	s20 =	simm.s32 $0x3;
	s21 =	simm.s32 $0x1000;
	s4 =	sand.u32 $0x1, s0  }
0x6: {  	s22 =	simm.s32 $0x2;
	s0 =	stileid.u32;
	s1 =	sshll.u32 s4, $0x4  }
0x7: {  	s23 =	simm.s32 $0x0;
	s5 =	sand.u32 $0x7, s0;
	s1 =	sor.u32 s0, s1  }
0x8: {  	s30 =	sshll.u32 s0, $0x12;
	p1 =	sne.s32 s5, $0x0;
	p0 =	seq.s32 s1, $0x0  }
0x9: {  	s4 =	ssub.s32 $0x2, s4;
	s29 =	sshll.u32 s5, $0x10;
	p0 =	por !p1, !p0  }
0xa: {  	s5 =	sshll.u32 s5, $0x7;
	s31 =	sshrl.u32 s4, $0x1;
	p0 =	por !p0, !p0  }
0xb: {  	s3 =	sshrl.u32 s1, $0x3;
	s14 =	ssub.s32 s4, s31;
	s2 =	simm.s32 @!p0 $0x0  }
0xc: {  	s1 =	rddreg [dreg:$0x3];
	s14 =	smax.u32 s14, $0x1;
	s9 =	ssub.s32 s3, s2  }
0xd: {  	s2 =	simm.s32 $0x0;
	s10 =	sshll.u32 s9, $0xA;
	s9 =	sshll.u32 s9, $0xE  }
0xe: {  	[smem:$0x7FF] =	sst s2;
	s3 =	sadd.s32 s29, s10;
	s9 =	sand.u32 $0x1FFFC000, s9  }
0xf: {  	_ =	strace $0x80000047;
	s11 =	sshrl.u32 s3, $0x3;
	s5 =	sor.u32 s5, s9  }
0x10: {  	s13 =	sadd.s32 s11, s8;
	s8 =	sor.u32 $0x600000, s30;
	s5 =	sadd.s32 s7, s5  }
0x11: {  	s3 =	simm.s32 $0x1;
	s8 =	sadd.s32 s10, s8;
	s7 =	sadd.s32 $0x1000, s5  }
0x12: {  	v0 =	vlaneseq.u32;
	s9 =	sadd.s32 $0x2000, s5;
	s10 =	sadd.s32 $0x2800, s5;
	s11 =	sadd.s32 $0x3000, s5  }
0x13: {  	v0 =	vmul.u32 $0x80, v0;
	s12 =	sadd.s32 $0x3800, s5;
	s13 =	sadd.s32 $0xC00, s13;
	s8 =	sshrl.u32 s8, $0x3  }
0x14: {  	s4 =	sadd.s32 s6, s8;
	s6 =	sadd.s32 $0x800, s5;
	s8 =	sadd.s32 $0x1800, s5  }
.LBB2_1:
0x15: {  	[tilespmem:s17], [sflag:$0x1] =	stream.strided.gather [hbm4b:s4+s15], $0x4000, s16, s15, $0x38;
	[tilespmem:$0x9000] =	vst v63  }
0x16: {  	s24 =	simm.s32 $0x1;
	v1 =	vmov s2;
	s30 =	simm.s32 $0x2;
	s25 =	simm.s32 $0x7  }
0x17: {  	s26 =	simm.s32 $0x3;
	s31 =	simm.s32 $0x4;
	v2 =	vmov s24;
	v3 =	vmov s30;
	v4 =	vmov s25  }
0x18: {  	v5 =	vmov s26;
	v6 =	vmov s31;
	s25 =	simm.s32 $0x5;
	v4 =	vand.u32 $0x7F, v4  }
0x19: {  	s26 =	simm.s32 $0x6;
	v2 =	vand.u32 $0x79, v2;
	v7 =	vmov s25;
	v4 =	vbroadcast v4, $0x0  }
0x1a: {  	[tilespmem:s16], [sflag:$0x3] =	stream.strided.gather [hbm4b:s5+s15], $0x800, s18, s15, $0x38;
	v3 =	vand.u32 $0x7A, v3;
	v5 =	vand.u32 $0x7B, v5;
	v2 =	vbroadcast v2, $0x0;
	[tilespmem:$0x9000] =	vst v63  }
0x1b: {  	v8 =	vmov s26;
	v3 =	vbroadcast v3, $0x0;
	v4 =	vor.u32 v0, v4  }
0x1c: {  	v6 =	vand.u32 $0x7C, v6;
	v5 =	vbroadcast v5, $0x0;
	[tilespmem:s19], [sflag:$0x3] =	stream.strided.gather [hbm4b:s6+s15], $0x800, s18, s15, $0x38;
	v2 =	vor.u32 v0, v2;
	[tilespmem:$0x9000] =	vst v63  }
0x1d: {  	v6 =	vbroadcast v6, $0x0;
	v7 =	vand.u32 $0x7D, v7;
	v3 =	vor.u32 v0, v3;
	_ =	swait.ge [sflag:s20], $0x800  }
0x1e: {  	v8 =	vand.u32 $0x7E, v8;
	v7 =	vbroadcast v7, $0x0;
	v5 =	vor.u32 v0, v5;
	[sflag:s20] =	ssyncset.done $0x0  }
0x1f: {  	v1 =	vand.u32 $0x78, v1;
	v8 =	vbroadcast v8, $0x0;
	v6 =	vor.u32 v0, v6;
	[sflag:s20] =	ssyncadd.s32 $0xFFFFF800  }
0x20: {  	s30 =	simm.s32 $0x8;
	s31 =	simm.s32 $0x9;
	v1 =	vbroadcast v1, $0x0;
	v7 =	vor.u32 v0, v7;
	v4 =	vld.idx.msk [tilespmem:v4+s16+$0x0], $0xffff  }
0x21: {  	v9 =	vmov s30;
	v10 =	vmov s31;
	s25 =	simm.s32 $0xA;
	s26 =	simm.s32 $0xF;
	s30 =	simm.s32 $0xB;
	v8 =	vor.u32 v0, v8;
	v2 =	vld.idx.msk [tilespmem:v2+s16+$0x0], $0xffff  }
0x22: {  	s31 =	simm.s32 $0xC;
	v11 =	vmov s25;
	v12 =	vmov s26;
	v13 =	vmov s30;
	v3 =	vld.idx.msk [tilespmem:v3+s16+$0x0], $0xffff  }
0x23: {  	v14 =	vmov s31;
	v1 =	vor.u32 v0, v1;
	v12 =	vand.u32 $0x7F, v12;
	v15 =	vld.idx.msk [tilespmem:v5+s16+$0x0], $0xffff  }
0x24: {  	v11 =	vand.u32 $0x7A, v11;
	v5 =	vand.u32 $0x79, v10;
	v10 =	vbroadcast v12, $0x0;
	v6 =	vld.idx.msk [tilespmem:v6+s16+$0x0], $0xffff  }
0x25: {  	s24 =	simm.s32 $0x200;
	s26 =	simm.s32 $0xD;
	v5 =	vbroadcast v5, $0x0;
	v16 =	vld.idx.msk [tilespmem:v7+s16+$0x0], $0xffff;
	v7 =	vbroadcast v11, $0x0;
	v11 =	vand.u32 $0x7B, v13  }
0x26: {  	v62 =	vmov s26;
	v63 =	vld.idx.msk [tilespmem:v8+s16+$0x0], $0xffff;
	v10 =	vor.u32 v0, v10;
	v8 =	vbroadcast v11, $0x0;
	[tilespmem:s24+$0x180] =	vst v4  }
0x27: {  	s30 =	simm.s32 $0xE;
	v17 =	vor.u32 v0, v5;
	v5 =	vor.u32 v0, v7;
	[tilespmem:s24+$0xFFFFFE80] =	vst v2;
	v2 =	vand.u32 $0x7C, v14  }
0x28: {  	v7 =	vand.u32 $0x7D, v62;
	v4 =	vmov s30;
	[tilespmem:s24+$0xFFFFFF00] =	vst v3;
	v3 =	vld.idx.msk [tilespmem:v1+s16+$0x0], $0xffff;
	v2 =	vbroadcast v2, $0x0  }
0x29: {  	v12 =	vbroadcast v7, $0x0;
	v7 =	vor.u32 v0, v8;
	[tilespmem:s24+$0xFFFFFF80] =	vst v15;
	v4 =	vand.u32 $0x7E, v4  }
0x2a: {  	v1 =	vand.u32 $0x78, v9;
	[tilespmem:s24+$0x0] =	vst v6;
	v9 =	vbroadcast v4, $0x0;
	v8 =	vor.u32 v0, v2  }
0x2b: {  	s25 =	simm.s32 $0x10;
	s31 =	simm.s32 $0x11;
	v11 =	vbroadcast v1, $0x0;
	v6 =	vor.u32 v0, v12;
	[tilespmem:s24+$0x80] =	vst v16;
	v2 =	vld.idx.msk [tilespmem:v10+s16+$0x0], $0xffff  }
0x2c: {  	s29 =	simm.s32 $0x12;
	s28 =	simm.s32 $0x17;
	s26 =	simm.s32 $0x18;
	v1 =	vmov s25;
	[tilespmem:s24+$0x100] =	vst v63;
	v10 =	vmov s31;
	v4 =	vld.idx.msk [tilespmem:v17+s16+$0x0], $0xffff;
	v9 =	vor.u32 v0, v9  }
.LBB2_2:
0x2d: {  	p0 =	slt.u32 s26, $0x78;
	v12 =	vmov s29;
	s29 =	sadd.s32 $0x3, s25;
	s30 =	sadd.s32 $0x4, s25;
	v13 =	vmov s28;
	v11 =	vor.u32 v0, v11;
	v14 =	vld.idx.msk [tilespmem:v5+s16+$0x0], $0xffff;
	[tilespmem:s24+$0xFFFFFE00] =	vst v3  }
0x2e: {  	s28 =	sadd.s32 $0x5, s25;
	v3 =	vmov s29;
	v5 =	vmov s30;
	v13 =	vand.u32 $0x7F, v13;
	v15 =	vld.idx.msk [tilespmem:v7+s16+$0x0], $0xffff  }
0x2f: {  	v7 =	vand.u32 $0x79, v10;
	v10 =	vmov s28;
	s28 =	sadd.s32 $0x6, s25;
	s25 =	smov.u32 s26;
	v13 =	vbroadcast v13, $0x0;
	v16 =	vld.idx.msk [tilespmem:v8+s16+$0x0], $0xffff  }
0x30: {  	s24 =	sadd.s32 $0x400, s24;
	v7 =	vbroadcast v7, $0x0;
	v8 =	vand.u32 $0x7A, v12;
	v12 =	vmov s28;
	v17 =	vld.idx.msk [tilespmem:v6+s16+$0x0], $0xffff  }
0x31: {  	v3 =	vand.u32 $0x7B, v3;
	v6 =	vbroadcast v8, $0x0;
	v13 =	vor.u32 v0, v13;
	v18 =	vld.idx.msk [tilespmem:v9+s16+$0x0], $0xffff;
	[tilespmem:s24+$0x180] =	vst v2  }
0x32: {  	v9 =	vor.u32 v0, v7;
	v2 =	vbroadcast v3, $0x0;
	v7 =	vand.u32 $0x7C, v5;
	v3 =	vld.idx.msk [tilespmem:v11+s16+$0x0], $0xffff;
	[tilespmem:s24+$0xFFFFFE80] =	vst v4  }
.Ltmp0:
0x33: {  	v5 =	vor.u32 v0, v6;
	v4 =	vbroadcast v7, $0x0;
	v6 =	vand.u32 $0x7D, v10;
	[tilespmem:s24+$0xFFFFFF00] =	vst v14;
	(pc) =	sbr.rel @p0 .LBB2_2-.Ltmp0, $4  }
0x34: {  	v7 =	vor.u32 v0, v2;
	v2 =	vbroadcast v6, $0x0;
	v6 =	vand.u32 $0x7E, v12;
	[tilespmem:s24+$0xFFFFFF80] =	vst v15  }
0x35: {  	v1 =	vand.u32 $0x78, v1;
	v8 =	vor.u32 v0, v4;
	v12 =	vbroadcast v6, $0x0;
	[tilespmem:s24+$0x0] =	vst v16  }
0x36: {  	s28 =	sadd.s32 $0x1, s26;
	v11 =	vbroadcast v1, $0x0;
	v6 =	vor.u32 v0, v2;
	v2 =	vld.idx.msk [tilespmem:v13+s16+$0x0], $0xffff;
	[tilespmem:s24+$0x80] =	vst v17  }
0x37: {  	s29 =	sadd.s32 $0x2, s25;
	s26 =	sadd.s32 $0x8, s26;
	v1 =	vmov s25;
	v10 =	vmov s28;
	s28 =	sadd.s32 $0x7, s25;
	v4 =	vld.idx.msk [tilespmem:v9+s16+$0x0], $0xffff;
	v9 =	vor.u32 v0, v12;
	[tilespmem:s24+$0x100] =	vst v18  }
0x38: {  	_ = 	snop  }
0x39: {  	v12 =	vmov s29;
	s26 =	sadd.s32 $0x3, s25;
	v13 =	vmov s28;
	v11 =	vor.u32 v0, v11  }
0x3a: {  	s29 =	sadd.s32 $0x4, s25;
	v10 =	vand.u32 $0x79, v10;
	v1 =	vand.u32 $0x78, v1;
	v14 =	vmov s26  }
0x3b: {  	s30 =	sadd.s32 $0x5, s25;
	v15 =	vmov s29;
	v13 =	vand.u32 $0x7F, v13;
	v10 =	vbroadcast v10, $0x0  }
0x3c: {  	s31 =	sadd.s32 $0x6, s25;
	v5 =	vld.idx.msk [tilespmem:v5+s16+$0x0], $0xffff;
	v16 =	vmov s30;
	v12 =	vand.u32 $0x7A, v12;
	v1 =	vbroadcast v1, $0x0  }
0x3d: {  	[tilespmem:s24+$0xFFFFFE00] =	vst v3;
	v3 =	vld.idx.msk [tilespmem:v8+s16+$0x0], $0xffff;
	v17 =	vmov s31;
	v13 =	vbroadcast v13, $0x0;
	v8 =	vor.u32 v0, v10  }
0x3e: {  	v7 =	vld.idx.msk [tilespmem:v7+s16+$0x0], $0xffff;
	s26 =	sadd.s32 $0x400, s24;
	v12 =	vbroadcast v12, $0x0;
	v14 =	vand.u32 $0x7B, v14;
	v1 =	vor.u32 v0, v1  }
0x3f: {  	v6 =	vld.idx.msk [tilespmem:v6+s16+$0x0], $0xffff;
	v52 =	vand.u32 $0x7C, v15;
	v10 =	vbroadcast v14, $0x0;
	[tilespmem:s26+$0x180] =	vst v2;
	v13 =	vor.u32 v0, v13  }
0x40: {  	v9 =	vld.idx.msk [tilespmem:v9+s16+$0x0], $0xffff;
	v54 =	vand.u32 $0x7D, v16;
	v53 =	vbroadcast v52, $0x0;
	v2 =	vor.u32 v0, v12;
	[tilespmem:s26+$0xFFFFFE80] =	vst v4  }
0x41: {  	v55 =	vand.u32 $0x7E, v17;
	v4 =	vor.u32 v0, v10;
	v10 =	vbroadcast v54, $0x0;
	v11 =	vld.idx.msk [tilespmem:v11+s16+$0x0], $0xffff;
	[tilespmem:s26+$0xFFFFFF00] =	vst v5  }
0x42: {  	v56 =	vbroadcast v55, $0x0;
	v5 =	vor.u32 v0, v53;
	[tilespmem:s26+$0x0] =	vst v3;
	v3 =	vld.idx.msk [tilespmem:v8+s16+$0x0], $0xffff  }
0x43: {  	[tilespmem:s26+$0xFFFFFF80] =	vst v7;
	v7 =	vor.u32 v0, v10;
	v1 =	vld.idx.msk [tilespmem:v1+s16+$0x0], $0xffff  }
0x44: {  	[tilespmem:s26+$0x80] =	vst v6;
	v8 =	vor.u32 v0, v56;
	v10 =	vld.idx.msk [tilespmem:v13+s16+$0x0], $0xffff  }
0x45: {  	[tilespmem:s26+$0x100] =	vst v9;
	v2 =	vld.idx.msk [tilespmem:v2+s16+$0x0], $0xffff  }
0x46: {  	s24 =	sadd.s32 $0x400, s26;
	v4 =	vld.idx.msk [tilespmem:v4+s16+$0x0], $0xffff;
	[tilespmem:s26+$0xFFFFFE00] =	vst v11  }
0x47: {  	v5 =	vld.idx.msk [tilespmem:v5+s16+$0x0], $0xffff;
	[tilespmem:s24+$0xFFFFFE80] =	vst v3  }
0x48: {  	s31 =	simm.s32 $0x1;
	v6 =	vld.idx.msk [tilespmem:v7+s16+$0x0], $0xffff;
	[tilespmem:s24+$0xFFFFFE00] =	vst v1  }
0x49: {  	s28 =	simm.s32 $0x3;
	s26 =	simm.s32 $0x6;
	v7 =	vld.idx.msk [tilespmem:v8+s16+$0x0], $0xffff;
	v3 =	vmov s31;
	s31 =	simm.s32 $0x7;
	[tilespmem:s24+$0x180] =	vst v10  }
0x4a: {  	s30 =	simm.s32 $0x0;
	v9 =	vmov s28;
	v1 =	vmov s26;
	[tilespmem:s24+$0xFFFFFF00] =	vst v2;
	v8 =	vmov s31  }
0x4b: {  	v2 =	vmov s30;
	s30 =	simm.s32 $0x2;
	v3 =	vand.u32 $0x79, v3;
	[tilespmem:s24+$0xFFFFFF80] =	vst v4;
	v8 =	vand.u32 $0x7F, v8  }
0x4c: {  	v1 =	vand.u32 $0x7E, v1;
	v4 =	vmov s30;
	s30 =	simm.s32 $0x4;
	[tilespmem:s24+$0x0] =	vst v5;
	v8 =	vbroadcast v8, $0x0  }
0x4d: {  	v3 =	vbroadcast v3, $0x0;
	v5 =	vmov s30;
	v4 =	vand.u32 $0x7A, v4;
	[tilespmem:s24+$0x80] =	vst v6  }
0x4e: {  	s31 =	simm.s32 $0x5;
	v4 =	vbroadcast v4, $0x0;
	v5 =	vand.u32 $0x7C, v5;
	[tilespmem:s24+$0x100] =	vst v7;
	v8 =	vor.u32 v0, v8  }
0x4f: {  	v3 =	vor.u32 v0, v3;
	v7 =	vand.u32 $0x7B, v9;
	v5 =	vbroadcast v5, $0x0;
	[tilespmem:s16], [sflag:$0x3] =	stream.strided.gather [hbm4b:s7+s15], $0x800, s18, s15, $0x38;
	[tilespmem:$0x9000] =	vst v63  }
0x50: {  	v6 =	vmov s31;
	v7 =	vbroadcast v7, $0x0;
	v4 =	vor.u32 v0, v4;
	_ =	swait.ge [sflag:s20], $0x800  }
0x51: {  	v1 =	vbroadcast v1, $0x0;
	v6 =	vand.u32 $0x7D, v6;
	v5 =	vor.u32 v0, v5;
	[sflag:s20] =	ssyncset.done $0x0  }
0x52: {  	s26 =	simm.s32 $0xF;
	v6 =	vbroadcast v6, $0x0;
	v7 =	vor.u32 v0, v7;
	[sflag:s20] =	ssyncadd.s32 $0xFFFFF800  }
0x53: {  	v57 =	vmov s26;
	v2 =	vand.u32 $0x78, v2;
	v1 =	vor.u32 v0, v1;
	v8 =	vld.idx.msk [tilespmem:v8+s19+$0x0], $0xffff  }
0x54: {  	s25 =	simm.s32 $0xA;
	v12 =	vand.u32 $0x7F, v57;
	v2 =	vbroadcast v2, $0x0;
	s31 =	simm.s32 $0x9;
	v6 =	vor.u32 v0, v6;
	v3 =	vld.idx.msk [tilespmem:v3+s19+$0x0], $0xffff  }
0x55: {  	v11 =	vmov s25;
	s26 =	simm.s32 $0xD;
	v12 =	vbroadcast v12, $0x0;
	v10 =	vmov s31;
	v4 =	vld.idx.msk [tilespmem:v4+s19+$0x0], $0xffff  }
0x56: {  	v60 =	vmov s26;
	s30 =	simm.s32 $0x8;
	v2 =	vor.u32 v0, v2;
	v10 =	vand.u32 $0x79, v10;
	v61 =	vld.idx.msk [tilespmem:v5+s19+$0x0], $0xffff  }
0x57: {  	v9 =	vmov s30;
	s30 =	simm.s32 $0xB;
	s31 =	simm.s32 $0xC;
	v12 =	vor.u32 v0, v12;
	v5 =	vbroadcast v10, $0x0;
	v7 =	vld.idx.msk [tilespmem:v7+s19+$0x0], $0xffff  }
0x58: {  	s24 =	simm.s32 $0x210;
	v58 =	vmov s30;
	v59 =	vmov s31;
	v63 =	vld.idx.msk [tilespmem:v1+s19+$0x0], $0xffff;
	v10 =	vand.u32 $0x7A, v11  }
0x59: {  	s30 =	simm.s32 $0xE;
	v62 =	vld.idx.msk [tilespmem:v6+s19+$0x0], $0xffff;
	v6 =	vbroadcast v10, $0x0;
	v10 =	vand.u32 $0x7B, v58;
	v18 =	vor.u32 v0, v5;
	[tilespmem:s24+$0x180] =	vst v8  }
0x5a: {  	v1 =	vbroadcast v10, $0x0;
	v8 =	vmov s30;
	[tilespmem:s24+$0xFFFFFE80] =	vst v3;
	v3 =	vand.u32 $0x7C, v59  }
0x5b: {  	v5 =	vor.u32 v0, v6;
	v6 =	vand.u32 $0x7D, v60;
	[tilespmem:s24+$0xFFFFFF00] =	vst v4;
	v4 =	vbroadcast v3, $0x0;
	v3 =	vld.idx.msk [tilespmem:v2+s19+$0x0], $0xffff  }
0x5c: {  	v6 =	vbroadcast v6, $0x0;
	v8 =	vand.u32 $0x7E, v8;
	[tilespmem:s24+$0xFFFFFF80] =	vst v7;
	v7 =	vor.u32 v0, v1  }
0x5d: {  	[tilespmem:s24+$0x100] =	vst v63;
	v1 =	vand.u32 $0x78, v9;
	v9 =	vbroadcast v8, $0x0;
	v8 =	vor.u32 v0, v4  }
0x5e: {  	s25 =	simm.s32 $0x10;
	s31 =	simm.s32 $0x11;
	v2 =	vld.idx.msk [tilespmem:v12+s19+$0x0], $0xffff;
	[tilespmem:s24+$0x0] =	vst v61;
	v6 =	vor.u32 v0, v6;
	v11 =	vbroadcast v1, $0x0  }
0x5f: {  	s29 =	simm.s32 $0x12;
	s28 =	simm.s32 $0x17;
	s26 =	simm.s32 $0x18;
	v10 =	vmov s31;
	[tilespmem:s24+$0x80] =	vst v62;
	v1 =	vmov s25;
	v4 =	vld.idx.msk [tilespmem:v18+s19+$0x0], $0xffff;
	v9 =	vor.u32 v0, v9  }
.LBB2_4:
0x60: {  	p0 =	slt.u32 s26, $0x78;
	v12 =	vmov s29;
	s29 =	sadd.s32 $0x3, s25;
	s30 =	sadd.s32 $0x4, s25;
	v13 =	vmov s28;
	v11 =	vor.u32 v0, v11;
	v14 =	vld.idx.msk [tilespmem:v5+s19+$0x0], $0xffff;
	[tilespmem:s24+$0xFFFFFE00] =	vst v3  }
0x61: {  	s28 =	sadd.s32 $0x5, s25;
	v3 =	vmov s29;
	v5 =	vmov s30;
	v13 =	vand.u32 $0x7F, v13;
	v15 =	vld.idx.msk [tilespmem:v7+s19+$0x0], $0xffff  }
0x62: {  	v7 =	vand.u32 $0x79, v10;
	v10 =	vmov s28;
	s28 =	sadd.s32 $0x6, s25;
	s25 =	smov.u32 s26;
	v13 =	vbroadcast v13, $0x0;
	v16 =	vld.idx.msk [tilespmem:v8+s19+$0x0], $0xffff  }
0x63: {  	s24 =	sadd.s32 $0x400, s24;
	v7 =	vbroadcast v7, $0x0;
	v8 =	vand.u32 $0x7A, v12;
	v12 =	vmov s28;
	v17 =	vld.idx.msk [tilespmem:v6+s19+$0x0], $0xffff  }
0x64: {  	v3 =	vand.u32 $0x7B, v3;
	v6 =	vbroadcast v8, $0x0;
	v13 =	vor.u32 v0, v13;
	v18 =	vld.idx.msk [tilespmem:v9+s19+$0x0], $0xffff;
	[tilespmem:s24+$0x180] =	vst v2  }
0x65: {  	v9 =	vor.u32 v0, v7;
	v2 =	vbroadcast v3, $0x0;
	v7 =	vand.u32 $0x7C, v5;
	v3 =	vld.idx.msk [tilespmem:v11+s19+$0x0], $0xffff;
	[tilespmem:s24+$0xFFFFFE80] =	vst v4  }
.Ltmp1:
0x66: {  	v5 =	vor.u32 v0, v6;
	v4 =	vbroadcast v7, $0x0;
	v6 =	vand.u32 $0x7D, v10;
	[tilespmem:s24+$0xFFFFFF00] =	vst v14;
	(pc) =	sbr.rel @p0 .LBB2_4-.Ltmp1, $4  }
0x67: {  	v7 =	vor.u32 v0, v2;
	v2 =	vbroadcast v6, $0x0;
	v6 =	vand.u32 $0x7E, v12;
	[tilespmem:s24+$0xFFFFFF80] =	vst v15  }
0x68: {  	v1 =	vand.u32 $0x78, v1;
	v8 =	vor.u32 v0, v4;
	v12 =	vbroadcast v6, $0x0;
	[tilespmem:s24+$0x0] =	vst v16  }
0x69: {  	s28 =	sadd.s32 $0x1, s26;
	v11 =	vbroadcast v1, $0x0;
	v6 =	vor.u32 v0, v2;
	v2 =	vld.idx.msk [tilespmem:v13+s19+$0x0], $0xffff;
	[tilespmem:s24+$0x80] =	vst v17  }
0x6a: {  	s29 =	sadd.s32 $0x2, s25;
	s26 =	sadd.s32 $0x8, s26;
	v1 =	vmov s25;
	v10 =	vmov s28;
	s28 =	sadd.s32 $0x7, s25;
	v4 =	vld.idx.msk [tilespmem:v9+s19+$0x0], $0xffff;
	v9 =	vor.u32 v0, v12;
	[tilespmem:s24+$0x100] =	vst v18  }
0x6b: {  	_ = 	snop  }
0x6c: {  	v12 =	vmov s29;
	s26 =	sadd.s32 $0x3, s25;
	v13 =	vmov s28;
	v11 =	vor.u32 v0, v11  }
0x6d: {  	s29 =	sadd.s32 $0x4, s25;
	v10 =	vand.u32 $0x79, v10;
	v1 =	vand.u32 $0x78, v1;
	v14 =	vmov s26  }
0x6e: {  	s30 =	sadd.s32 $0x5, s25;
	v15 =	vmov s29;
	v13 =	vand.u32 $0x7F, v13;
	v10 =	vbroadcast v10, $0x0  }
0x6f: {  	s31 =	sadd.s32 $0x6, s25;
	v5 =	vld.idx.msk [tilespmem:v5+s19+$0x0], $0xffff;
	v16 =	vmov s30;
	v12 =	vand.u32 $0x7A, v12;
	v1 =	vbroadcast v1, $0x0  }
0x70: {  	[tilespmem:s24+$0xFFFFFE00] =	vst v3;
	v3 =	vld.idx.msk [tilespmem:v8+s19+$0x0], $0xffff;
	v17 =	vmov s31;
	v13 =	vbroadcast v13, $0x0;
	v8 =	vor.u32 v0, v10  }
0x71: {  	v7 =	vld.idx.msk [tilespmem:v7+s19+$0x0], $0xffff;
	s26 =	sadd.s32 $0x400, s24;
	v12 =	vbroadcast v12, $0x0;
	v14 =	vand.u32 $0x7B, v14;
	v1 =	vor.u32 v0, v1  }
0x72: {  	v6 =	vld.idx.msk [tilespmem:v6+s19+$0x0], $0xffff;
	v52 =	vand.u32 $0x7C, v15;
	v10 =	vbroadcast v14, $0x0;
	[tilespmem:s26+$0x180] =	vst v2;
	v13 =	vor.u32 v0, v13  }
0x73: {  	v9 =	vld.idx.msk [tilespmem:v9+s19+$0x0], $0xffff;
	v54 =	vand.u32 $0x7D, v16;
	v53 =	vbroadcast v52, $0x0;
	v2 =	vor.u32 v0, v12;
	[tilespmem:s26+$0xFFFFFE80] =	vst v4  }
0x74: {  	v55 =	vand.u32 $0x7E, v17;
	v4 =	vor.u32 v0, v10;
	v10 =	vbroadcast v54, $0x0;
	v11 =	vld.idx.msk [tilespmem:v11+s19+$0x0], $0xffff;
	[tilespmem:s26+$0xFFFFFF00] =	vst v5  }
0x75: {  	v56 =	vbroadcast v55, $0x0;
	v5 =	vor.u32 v0, v53;
	[tilespmem:s26+$0x0] =	vst v3;
	v3 =	vld.idx.msk [tilespmem:v8+s19+$0x0], $0xffff  }
0x76: {  	[tilespmem:s26+$0xFFFFFF80] =	vst v7;
	v7 =	vor.u32 v0, v10;
	v1 =	vld.idx.msk [tilespmem:v1+s19+$0x0], $0xffff  }
0x77: {  	[tilespmem:s26+$0x80] =	vst v6;
	v8 =	vor.u32 v0, v56;
	v10 =	vld.idx.msk [tilespmem:v13+s19+$0x0], $0xffff  }
0x78: {  	[tilespmem:s26+$0x100] =	vst v9;
	v2 =	vld.idx.msk [tilespmem:v2+s19+$0x0], $0xffff  }
0x79: {  	s24 =	sadd.s32 $0x400, s26;
	v4 =	vld.idx.msk [tilespmem:v4+s19+$0x0], $0xffff;
	[tilespmem:s26+$0xFFFFFE00] =	vst v11  }
0x7a: {  	v5 =	vld.idx.msk [tilespmem:v5+s19+$0x0], $0xffff;
	[tilespmem:s24+$0xFFFFFE80] =	vst v3  }
0x7b: {  	s31 =	simm.s32 $0x1;
	v6 =	vld.idx.msk [tilespmem:v7+s19+$0x0], $0xffff;
	[tilespmem:s24+$0xFFFFFE00] =	vst v1  }
0x7c: {  	s28 =	simm.s32 $0x3;
	s26 =	simm.s32 $0x6;
	v7 =	vld.idx.msk [tilespmem:v8+s19+$0x0], $0xffff;
	v3 =	vmov s31;
	s31 =	simm.s32 $0x7;
	[tilespmem:s24+$0x180] =	vst v10  }
0x7d: {  	s30 =	simm.s32 $0x0;
	v9 =	vmov s28;
	v1 =	vmov s26;
	[tilespmem:s24+$0xFFFFFF00] =	vst v2;
	v8 =	vmov s31  }
0x7e: {  	v2 =	vmov s30;
	s30 =	simm.s32 $0x2;
	v3 =	vand.u32 $0x79, v3;
	[tilespmem:s24+$0xFFFFFF80] =	vst v4;
	v8 =	vand.u32 $0x7F, v8  }
0x7f: {  	v1 =	vand.u32 $0x7E, v1;
	v4 =	vmov s30;
	s30 =	simm.s32 $0x4;
	[tilespmem:s24+$0x0] =	vst v5;
	v8 =	vbroadcast v8, $0x0  }
0x80: {  	v3 =	vbroadcast v3, $0x0;
	v5 =	vmov s30;
	v4 =	vand.u32 $0x7A, v4;
	[tilespmem:s24+$0x80] =	vst v6  }
0x81: {  	s31 =	simm.s32 $0x5;
	v4 =	vbroadcast v4, $0x0;
	v5 =	vand.u32 $0x7C, v5;
	[tilespmem:s24+$0x100] =	vst v7;
	v8 =	vor.u32 v0, v8  }
0x82: {  	v3 =	vor.u32 v0, v3;
	v7 =	vand.u32 $0x7B, v9;
	v5 =	vbroadcast v5, $0x0;
	[tilespmem:s19], [sflag:$0x3] =	stream.strided.gather [hbm4b:s8+s15], $0x800, s18, s15, $0x38;
	[tilespmem:$0x9000] =	vst v63  }
0x83: {  	v6 =	vmov s31;
	v7 =	vbroadcast v7, $0x0;
	v4 =	vor.u32 v0, v4;
	_ =	swait.ge [sflag:s20], $0x800  }
0x84: {  	v1 =	vbroadcast v1, $0x0;
	v6 =	vand.u32 $0x7D, v6;
	v5 =	vor.u32 v0, v5;
	[sflag:s20] =	ssyncset.done $0x0  }
0x85: {  	s26 =	simm.s32 $0xF;
	v6 =	vbroadcast v6, $0x0;
	v7 =	vor.u32 v0, v7;
	[sflag:s20] =	ssyncadd.s32 $0xFFFFF800  }
0x86: {  	v57 =	vmov s26;
	v2 =	vand.u32 $0x78, v2;
	v1 =	vor.u32 v0, v1;
	v8 =	vld.idx.msk [tilespmem:v8+s16+$0x0], $0xffff  }
0x87: {  	s25 =	simm.s32 $0xA;
	v12 =	vand.u32 $0x7F, v57;
	v2 =	vbroadcast v2, $0x0;
	s31 =	simm.s32 $0x9;
	v6 =	vor.u32 v0, v6;
	v3 =	vld.idx.msk [tilespmem:v3+s16+$0x0], $0xffff  }
0x88: {  	v11 =	vmov s25;
	s26 =	simm.s32 $0xD;
	v12 =	vbroadcast v12, $0x0;
	v10 =	vmov s31;
	v4 =	vld.idx.msk [tilespmem:v4+s16+$0x0], $0xffff  }
0x89: {  	v60 =	vmov s26;
	s30 =	simm.s32 $0x8;
	v2 =	vor.u32 v0, v2;
	v10 =	vand.u32 $0x79, v10;
	v61 =	vld.idx.msk [tilespmem:v5+s16+$0x0], $0xffff  }
0x8a: {  	v9 =	vmov s30;
	s30 =	simm.s32 $0xB;
	s31 =	simm.s32 $0xC;
	v12 =	vor.u32 v0, v12;
	v5 =	vbroadcast v10, $0x0;
	v7 =	vld.idx.msk [tilespmem:v7+s16+$0x0], $0xffff  }
0x8b: {  	s24 =	simm.s32 $0x220;
	v58 =	vmov s30;
	v59 =	vmov s31;
	v63 =	vld.idx.msk [tilespmem:v1+s16+$0x0], $0xffff;
	v10 =	vand.u32 $0x7A, v11  }
0x8c: {  	s30 =	simm.s32 $0xE;
	v62 =	vld.idx.msk [tilespmem:v6+s16+$0x0], $0xffff;
	v6 =	vbroadcast v10, $0x0;
	v10 =	vand.u32 $0x7B, v58;
	v18 =	vor.u32 v0, v5;
	[tilespmem:s24+$0x180] =	vst v8  }
0x8d: {  	v1 =	vbroadcast v10, $0x0;
	v8 =	vmov s30;
	[tilespmem:s24+$0xFFFFFE80] =	vst v3;
	v3 =	vand.u32 $0x7C, v59  }
0x8e: {  	v5 =	vor.u32 v0, v6;
	v6 =	vand.u32 $0x7D, v60;
	[tilespmem:s24+$0xFFFFFF00] =	vst v4;
	v4 =	vbroadcast v3, $0x0;
	v3 =	vld.idx.msk [tilespmem:v2+s16+$0x0], $0xffff  }
0x8f: {  	v6 =	vbroadcast v6, $0x0;
	v8 =	vand.u32 $0x7E, v8;
	[tilespmem:s24+$0xFFFFFF80] =	vst v7;
	v7 =	vor.u32 v0, v1  }
0x90: {  	[tilespmem:s24+$0x100] =	vst v63;
	v1 =	vand.u32 $0x78, v9;
	v9 =	vbroadcast v8, $0x0;
	v8 =	vor.u32 v0, v4  }
0x91: {  	s25 =	simm.s32 $0x10;
	s31 =	simm.s32 $0x11;
	v2 =	vld.idx.msk [tilespmem:v12+s16+$0x0], $0xffff;
	[tilespmem:s24+$0x0] =	vst v61;
	v6 =	vor.u32 v0, v6;
	v11 =	vbroadcast v1, $0x0  }
0x92: {  	s29 =	simm.s32 $0x12;
	s28 =	simm.s32 $0x17;
	s26 =	simm.s32 $0x18;
	v10 =	vmov s31;
	[tilespmem:s24+$0x80] =	vst v62;
	v1 =	vmov s25;
	v4 =	vld.idx.msk [tilespmem:v18+s16+$0x0], $0xffff;
	v9 =	vor.u32 v0, v9  }
.LBB2_6:
0x93: {  	p0 =	slt.u32 s26, $0x78;
	v12 =	vmov s29;
	s29 =	sadd.s32 $0x3, s25;
	s30 =	sadd.s32 $0x4, s25;
	v13 =	vmov s28;
	v11 =	vor.u32 v0, v11;
	v14 =	vld.idx.msk [tilespmem:v5+s16+$0x0], $0xffff;
	[tilespmem:s24+$0xFFFFFE00] =	vst v3  }
0x94: {  	s28 =	sadd.s32 $0x5, s25;
	v3 =	vmov s29;
	v5 =	vmov s30;
	v13 =	vand.u32 $0x7F, v13;
	v15 =	vld.idx.msk [tilespmem:v7+s16+$0x0], $0xffff  }
0x95: {  	v7 =	vand.u32 $0x79, v10;
	v10 =	vmov s28;
	s28 =	sadd.s32 $0x6, s25;
	s25 =	smov.u32 s26;
	v13 =	vbroadcast v13, $0x0;
	v16 =	vld.idx.msk [tilespmem:v8+s16+$0x0], $0xffff  }
0x96: {  	s24 =	sadd.s32 $0x400, s24;
	v7 =	vbroadcast v7, $0x0;
	v8 =	vand.u32 $0x7A, v12;
	v12 =	vmov s28;
	v17 =	vld.idx.msk [tilespmem:v6+s16+$0x0], $0xffff  }
0x97: {  	v3 =	vand.u32 $0x7B, v3;
	v6 =	vbroadcast v8, $0x0;
	v13 =	vor.u32 v0, v13;
	v18 =	vld.idx.msk [tilespmem:v9+s16+$0x0], $0xffff;
	[tilespmem:s24+$0x180] =	vst v2  }
0x98: {  	v9 =	vor.u32 v0, v7;
	v2 =	vbroadcast v3, $0x0;
	v7 =	vand.u32 $0x7C, v5;
	v3 =	vld.idx.msk [tilespmem:v11+s16+$0x0], $0xffff;
	[tilespmem:s24+$0xFFFFFE80] =	vst v4  }
.Ltmp2:
0x99: {  	v5 =	vor.u32 v0, v6;
	v4 =	vbroadcast v7, $0x0;
	v6 =	vand.u32 $0x7D, v10;
	[tilespmem:s24+$0xFFFFFF00] =	vst v14;
	(pc) =	sbr.rel @p0 .LBB2_6-.Ltmp2, $4  }
0x9a: {  	v7 =	vor.u32 v0, v2;
	v2 =	vbroadcast v6, $0x0;
	v6 =	vand.u32 $0x7E, v12;
	[tilespmem:s24+$0xFFFFFF80] =	vst v15  }
0x9b: {  	v1 =	vand.u32 $0x78, v1;
	v8 =	vor.u32 v0, v4;
	v12 =	vbroadcast v6, $0x0;
	[tilespmem:s24+$0x0] =	vst v16  }
0x9c: {  	s28 =	sadd.s32 $0x1, s26;
	v11 =	vbroadcast v1, $0x0;
	v6 =	vor.u32 v0, v2;
	v2 =	vld.idx.msk [tilespmem:v13+s16+$0x0], $0xffff;
	[tilespmem:s24+$0x80] =	vst v17  }
0x9d: {  	s29 =	sadd.s32 $0x2, s25;
	s26 =	sadd.s32 $0x8, s26;
	v1 =	vmov s25;
	v10 =	vmov s28;
	s28 =	sadd.s32 $0x7, s25;
	v4 =	vld.idx.msk [tilespmem:v9+s16+$0x0], $0xffff;
	v9 =	vor.u32 v0, v12;
	[tilespmem:s24+$0x100] =	vst v18  }
0x9e: {  	_ = 	snop  }
0x9f: {  	v12 =	vmov s29;
	s26 =	sadd.s32 $0x3, s25;
	v13 =	vmov s28;
	v11 =	vor.u32 v0, v11  }
0xa0: {  	s29 =	sadd.s32 $0x4, s25;
	v10 =	vand.u32 $0x79, v10;
	v1 =	vand.u32 $0x78, v1;
	v14 =	vmov s26  }
0xa1: {  	s30 =	sadd.s32 $0x5, s25;
	v15 =	vmov s29;
	v13 =	vand.u32 $0x7F, v13;
	v10 =	vbroadcast v10, $0x0  }
0xa2: {  	s31 =	sadd.s32 $0x6, s25;
	v5 =	vld.idx.msk [tilespmem:v5+s16+$0x0], $0xffff;
	v16 =	vmov s30;
	v12 =	vand.u32 $0x7A, v12;
	v1 =	vbroadcast v1, $0x0  }
0xa3: {  	[tilespmem:s24+$0xFFFFFE00] =	vst v3;
	v3 =	vld.idx.msk [tilespmem:v8+s16+$0x0], $0xffff;
	v17 =	vmov s31;
	v13 =	vbroadcast v13, $0x0;
	v8 =	vor.u32 v0, v10  }
0xa4: {  	v7 =	vld.idx.msk [tilespmem:v7+s16+$0x0], $0xffff;
	s26 =	sadd.s32 $0x400, s24;
	v12 =	vbroadcast v12, $0x0;
	v14 =	vand.u32 $0x7B, v14;
	v1 =	vor.u32 v0, v1  }
0xa5: {  	v6 =	vld.idx.msk [tilespmem:v6+s16+$0x0], $0xffff;
	v52 =	vand.u32 $0x7C, v15;
	v10 =	vbroadcast v14, $0x0;
	[tilespmem:s26+$0x180] =	vst v2;
	v13 =	vor.u32 v0, v13  }
0xa6: {  	v9 =	vld.idx.msk [tilespmem:v9+s16+$0x0], $0xffff;
	v54 =	vand.u32 $0x7D, v16;
	v53 =	vbroadcast v52, $0x0;
	v2 =	vor.u32 v0, v12;
	[tilespmem:s26+$0xFFFFFE80] =	vst v4  }
0xa7: {  	v55 =	vand.u32 $0x7E, v17;
	v4 =	vor.u32 v0, v10;
	v10 =	vbroadcast v54, $0x0;
	v11 =	vld.idx.msk [tilespmem:v11+s16+$0x0], $0xffff;
	[tilespmem:s26+$0xFFFFFF00] =	vst v5  }
0xa8: {  	v56 =	vbroadcast v55, $0x0;
	v5 =	vor.u32 v0, v53;
	[tilespmem:s26+$0x0] =	vst v3;
	v3 =	vld.idx.msk [tilespmem:v8+s16+$0x0], $0xffff  }
0xa9: {  	[tilespmem:s26+$0xFFFFFF80] =	vst v7;
	v7 =	vor.u32 v0, v10;
	v1 =	vld.idx.msk [tilespmem:v1+s16+$0x0], $0xffff  }
0xaa: {  	[tilespmem:s26+$0x80] =	vst v6;
	v8 =	vor.u32 v0, v56;
	v10 =	vld.idx.msk [tilespmem:v13+s16+$0x0], $0xffff  }
0xab: {  	[tilespmem:s26+$0x100] =	vst v9;
	v2 =	vld.idx.msk [tilespmem:v2+s16+$0x0], $0xffff  }
0xac: {  	s24 =	sadd.s32 $0x400, s26;
	v4 =	vld.idx.msk [tilespmem:v4+s16+$0x0], $0xffff;
	[tilespmem:s26+$0xFFFFFE00] =	vst v11  }
0xad: {  	v5 =	vld.idx.msk [tilespmem:v5+s16+$0x0], $0xffff;
	[tilespmem:s24+$0xFFFFFE80] =	vst v3  }
0xae: {  	s31 =	simm.s32 $0x1;
	v6 =	vld.idx.msk [tilespmem:v7+s16+$0x0], $0xffff;
	[tilespmem:s24+$0xFFFFFE00] =	vst v1  }
0xaf: {  	s28 =	simm.s32 $0x3;
	s26 =	simm.s32 $0x6;
	v7 =	vld.idx.msk [tilespmem:v8+s16+$0x0], $0xffff;
	v3 =	vmov s31;
	s31 =	simm.s32 $0x7;
	[tilespmem:s24+$0x180] =	vst v10  }
0xb0: {  	s30 =	simm.s32 $0x0;
	v9 =	vmov s28;
	v1 =	vmov s26;
	[tilespmem:s24+$0xFFFFFF00] =	vst v2;
	v8 =	vmov s31  }
0xb1: {  	v2 =	vmov s30;
	s30 =	simm.s32 $0x2;
	v3 =	vand.u32 $0x79, v3;
	[tilespmem:s24+$0xFFFFFF80] =	vst v4;
	v8 =	vand.u32 $0x7F, v8  }
0xb2: {  	v1 =	vand.u32 $0x7E, v1;
	v4 =	vmov s30;
	s30 =	simm.s32 $0x4;
	[tilespmem:s24+$0x0] =	vst v5;
	v8 =	vbroadcast v8, $0x0  }
0xb3: {  	v3 =	vbroadcast v3, $0x0;
	v5 =	vmov s30;
	v4 =	vand.u32 $0x7A, v4;
	[tilespmem:s24+$0x80] =	vst v6  }
0xb4: {  	s31 =	simm.s32 $0x5;
	v4 =	vbroadcast v4, $0x0;
	v5 =	vand.u32 $0x7C, v5;
	[tilespmem:s24+$0x100] =	vst v7;
	v8 =	vor.u32 v0, v8  }
0xb5: {  	v3 =	vor.u32 v0, v3;
	v7 =	vand.u32 $0x7B, v9;
	v5 =	vbroadcast v5, $0x0;
	[tilespmem:s16], [sflag:$0x3] =	stream.strided.gather [hbm4b:s9+s15], $0x800, s18, s15, $0x38;
	[tilespmem:$0x9000] =	vst v63  }
0xb6: {  	v6 =	vmov s31;
	v7 =	vbroadcast v7, $0x0;
	v4 =	vor.u32 v0, v4;
	_ =	swait.ge [sflag:s20], $0x800  }
0xb7: {  	v1 =	vbroadcast v1, $0x0;
	v6 =	vand.u32 $0x7D, v6;
	v5 =	vor.u32 v0, v5;
	[sflag:s20] =	ssyncset.done $0x0  }
0xb8: {  	s26 =	simm.s32 $0xF;
	v6 =	vbroadcast v6, $0x0;
	v7 =	vor.u32 v0, v7;
	[sflag:s20] =	ssyncadd.s32 $0xFFFFF800  }
0xb9: {  	v57 =	vmov s26;
	v2 =	vand.u32 $0x78, v2;
	v1 =	vor.u32 v0, v1;
	v8 =	vld.idx.msk [tilespmem:v8+s19+$0x0], $0xffff  }
0xba: {  	s25 =	simm.s32 $0xA;
	v12 =	vand.u32 $0x7F, v57;
	v2 =	vbroadcast v2, $0x0;
	s31 =	simm.s32 $0x9;
	v6 =	vor.u32 v0, v6;
	v3 =	vld.idx.msk [tilespmem:v3+s19+$0x0], $0xffff  }
0xbb: {  	v11 =	vmov s25;
	s26 =	simm.s32 $0xD;
	v12 =	vbroadcast v12, $0x0;
	v10 =	vmov s31;
	v4 =	vld.idx.msk [tilespmem:v4+s19+$0x0], $0xffff  }
0xbc: {  	v60 =	vmov s26;
	s30 =	simm.s32 $0x8;
	v2 =	vor.u32 v0, v2;
	v10 =	vand.u32 $0x79, v10;
	v61 =	vld.idx.msk [tilespmem:v5+s19+$0x0], $0xffff  }
0xbd: {  	v9 =	vmov s30;
	s30 =	simm.s32 $0xB;
	s31 =	simm.s32 $0xC;
	v12 =	vor.u32 v0, v12;
	v5 =	vbroadcast v10, $0x0;
	v7 =	vld.idx.msk [tilespmem:v7+s19+$0x0], $0xffff  }
0xbe: {  	s24 =	simm.s32 $0x230;
	v58 =	vmov s30;
	v59 =	vmov s31;
	v63 =	vld.idx.msk [tilespmem:v1+s19+$0x0], $0xffff;
	v10 =	vand.u32 $0x7A, v11  }
0xbf: {  	s30 =	simm.s32 $0xE;
	v62 =	vld.idx.msk [tilespmem:v6+s19+$0x0], $0xffff;
	v6 =	vbroadcast v10, $0x0;
	v10 =	vand.u32 $0x7B, v58;
	v18 =	vor.u32 v0, v5;
	[tilespmem:s24+$0x180] =	vst v8  }
0xc0: {  	v1 =	vbroadcast v10, $0x0;
	v8 =	vmov s30;
	[tilespmem:s24+$0xFFFFFE80] =	vst v3;
	v3 =	vand.u32 $0x7C, v59  }
0xc1: {  	v5 =	vor.u32 v0, v6;
	v6 =	vand.u32 $0x7D, v60;
	[tilespmem:s24+$0xFFFFFF00] =	vst v4;
	v4 =	vbroadcast v3, $0x0;
	v3 =	vld.idx.msk [tilespmem:v2+s19+$0x0], $0xffff  }
0xc2: {  	v6 =	vbroadcast v6, $0x0;
	v8 =	vand.u32 $0x7E, v8;
	[tilespmem:s24+$0xFFFFFF80] =	vst v7;
	v7 =	vor.u32 v0, v1  }
0xc3: {  	[tilespmem:s24+$0x100] =	vst v63;
	v1 =	vand.u32 $0x78, v9;
	v9 =	vbroadcast v8, $0x0;
	v8 =	vor.u32 v0, v4  }
0xc4: {  	s25 =	simm.s32 $0x10;
	s31 =	simm.s32 $0x11;
	v2 =	vld.idx.msk [tilespmem:v12+s19+$0x0], $0xffff;
	[tilespmem:s24+$0x0] =	vst v61;
	v6 =	vor.u32 v0, v6;
	v11 =	vbroadcast v1, $0x0  }
0xc5: {  	s29 =	simm.s32 $0x12;
	s28 =	simm.s32 $0x17;
	s26 =	simm.s32 $0x18;
	v10 =	vmov s31;
	[tilespmem:s24+$0x80] =	vst v62;
	v1 =	vmov s25;
	v4 =	vld.idx.msk [tilespmem:v18+s19+$0x0], $0xffff;
	v9 =	vor.u32 v0, v9  }
.LBB2_8:
0xc6: {  	p0 =	slt.u32 s26, $0x78;
	v12 =	vmov s29;
	s29 =	sadd.s32 $0x3, s25;
	s30 =	sadd.s32 $0x4, s25;
	v13 =	vmov s28;
	v11 =	vor.u32 v0, v11;
	v14 =	vld.idx.msk [tilespmem:v5+s19+$0x0], $0xffff;
	[tilespmem:s24+$0xFFFFFE00] =	vst v3  }
0xc7: {  	s28 =	sadd.s32 $0x5, s25;
	v3 =	vmov s29;
	v5 =	vmov s30;
	v13 =	vand.u32 $0x7F, v13;
	v15 =	vld.idx.msk [tilespmem:v7+s19+$0x0], $0xffff  }
0xc8: {  	v7 =	vand.u32 $0x79, v10;
	v10 =	vmov s28;
	s28 =	sadd.s32 $0x6, s25;
	s25 =	smov.u32 s26;
	v13 =	vbroadcast v13, $0x0;
	v16 =	vld.idx.msk [tilespmem:v8+s19+$0x0], $0xffff  }
0xc9: {  	s24 =	sadd.s32 $0x400, s24;
	v7 =	vbroadcast v7, $0x0;
	v8 =	vand.u32 $0x7A, v12;
	v12 =	vmov s28;
	v17 =	vld.idx.msk [tilespmem:v6+s19+$0x0], $0xffff  }
0xca: {  	v3 =	vand.u32 $0x7B, v3;
	v6 =	vbroadcast v8, $0x0;
	v13 =	vor.u32 v0, v13;
	v18 =	vld.idx.msk [tilespmem:v9+s19+$0x0], $0xffff;
	[tilespmem:s24+$0x180] =	vst v2  }
0xcb: {  	v9 =	vor.u32 v0, v7;
	v2 =	vbroadcast v3, $0x0;
	v7 =	vand.u32 $0x7C, v5;
	v3 =	vld.idx.msk [tilespmem:v11+s19+$0x0], $0xffff;
	[tilespmem:s24+$0xFFFFFE80] =	vst v4  }
.Ltmp3:
0xcc: {  	v5 =	vor.u32 v0, v6;
	v4 =	vbroadcast v7, $0x0;
	v6 =	vand.u32 $0x7D, v10;
	[tilespmem:s24+$0xFFFFFF00] =	vst v14;
	(pc) =	sbr.rel @p0 .LBB2_8-.Ltmp3, $4  }
0xcd: {  	v7 =	vor.u32 v0, v2;
	v2 =	vbroadcast v6, $0x0;
	v6 =	vand.u32 $0x7E, v12;
	[tilespmem:s24+$0xFFFFFF80] =	vst v15  }
0xce: {  	v1 =	vand.u32 $0x78, v1;
	v8 =	vor.u32 v0, v4;
	v12 =	vbroadcast v6, $0x0;
	[tilespmem:s24+$0x0] =	vst v16  }
0xcf: {  	s28 =	sadd.s32 $0x1, s26;
	v11 =	vbroadcast v1, $0x0;
	v6 =	vor.u32 v0, v2;
	v2 =	vld.idx.msk [tilespmem:v13+s19+$0x0], $0xffff;
	[tilespmem:s24+$0x80] =	vst v17  }
0xd0: {  	s29 =	sadd.s32 $0x2, s25;
	s26 =	sadd.s32 $0x8, s26;
	v1 =	vmov s25;
	v10 =	vmov s28;
	s28 =	sadd.s32 $0x7, s25;
	v4 =	vld.idx.msk [tilespmem:v9+s19+$0x0], $0xffff;
	v9 =	vor.u32 v0, v12;
	[tilespmem:s24+$0x100] =	vst v18  }
0xd1: {  	_ = 	snop  }
0xd2: {  	v12 =	vmov s29;
	s26 =	sadd.s32 $0x3, s25;
	v13 =	vmov s28;
	v11 =	vor.u32 v0, v11  }
0xd3: {  	s29 =	sadd.s32 $0x4, s25;
	v10 =	vand.u32 $0x79, v10;
	v1 =	vand.u32 $0x78, v1;
	v14 =	vmov s26  }
0xd4: {  	s30 =	sadd.s32 $0x5, s25;
	v15 =	vmov s29;
	v13 =	vand.u32 $0x7F, v13;
	v10 =	vbroadcast v10, $0x0  }
0xd5: {  	s31 =	sadd.s32 $0x6, s25;
	v5 =	vld.idx.msk [tilespmem:v5+s19+$0x0], $0xffff;
	v16 =	vmov s30;
	v12 =	vand.u32 $0x7A, v12;
	v1 =	vbroadcast v1, $0x0  }
0xd6: {  	[tilespmem:s24+$0xFFFFFE00] =	vst v3;
	v3 =	vld.idx.msk [tilespmem:v8+s19+$0x0], $0xffff;
	v17 =	vmov s31;
	v13 =	vbroadcast v13, $0x0;
	v8 =	vor.u32 v0, v10  }
0xd7: {  	v7 =	vld.idx.msk [tilespmem:v7+s19+$0x0], $0xffff;
	s26 =	sadd.s32 $0x400, s24;
	v12 =	vbroadcast v12, $0x0;
	v14 =	vand.u32 $0x7B, v14;
	v1 =	vor.u32 v0, v1  }
0xd8: {  	v6 =	vld.idx.msk [tilespmem:v6+s19+$0x0], $0xffff;
	v52 =	vand.u32 $0x7C, v15;
	v10 =	vbroadcast v14, $0x0;
	[tilespmem:s26+$0x180] =	vst v2;
	v13 =	vor.u32 v0, v13  }
0xd9: {  	v9 =	vld.idx.msk [tilespmem:v9+s19+$0x0], $0xffff;
	v54 =	vand.u32 $0x7D, v16;
	v53 =	vbroadcast v52, $0x0;
	v2 =	vor.u32 v0, v12;
	[tilespmem:s26+$0xFFFFFE80] =	vst v4  }
0xda: {  	v55 =	vand.u32 $0x7E, v17;
	v4 =	vor.u32 v0, v10;
	v10 =	vbroadcast v54, $0x0;
	v11 =	vld.idx.msk [tilespmem:v11+s19+$0x0], $0xffff;
	[tilespmem:s26+$0xFFFFFF00] =	vst v5  }
0xdb: {  	v56 =	vbroadcast v55, $0x0;
	v5 =	vor.u32 v0, v53;
	[tilespmem:s26+$0x0] =	vst v3;
	v3 =	vld.idx.msk [tilespmem:v8+s19+$0x0], $0xffff  }
0xdc: {  	[tilespmem:s26+$0xFFFFFF80] =	vst v7;
	v7 =	vor.u32 v0, v10;
	v1 =	vld.idx.msk [tilespmem:v1+s19+$0x0], $0xffff  }
0xdd: {  	[tilespmem:s26+$0x80] =	vst v6;
	v8 =	vor.u32 v0, v56;
	v10 =	vld.idx.msk [tilespmem:v13+s19+$0x0], $0xffff  }
0xde: {  	[tilespmem:s26+$0x100] =	vst v9;
	v2 =	vld.idx.msk [tilespmem:v2+s19+$0x0], $0xffff  }
0xdf: {  	s24 =	sadd.s32 $0x400, s26;
	v4 =	vld.idx.msk [tilespmem:v4+s19+$0x0], $0xffff;
	[tilespmem:s26+$0xFFFFFE00] =	vst v11  }
0xe0: {  	v5 =	vld.idx.msk [tilespmem:v5+s19+$0x0], $0xffff;
	[tilespmem:s24+$0xFFFFFE80] =	vst v3  }
0xe1: {  	s31 =	simm.s32 $0x1;
	v6 =	vld.idx.msk [tilespmem:v7+s19+$0x0], $0xffff;
	[tilespmem:s24+$0xFFFFFE00] =	vst v1  }
0xe2: {  	s28 =	simm.s32 $0x3;
	s26 =	simm.s32 $0x6;
	v7 =	vld.idx.msk [tilespmem:v8+s19+$0x0], $0xffff;
	v3 =	vmov s31;
	s31 =	simm.s32 $0x7;
	[tilespmem:s24+$0x180] =	vst v10  }
0xe3: {  	s30 =	simm.s32 $0x0;
	v9 =	vmov s28;
	v1 =	vmov s26;
	[tilespmem:s24+$0xFFFFFF00] =	vst v2;
	v8 =	vmov s31  }
0xe4: {  	v2 =	vmov s30;
	s30 =	simm.s32 $0x2;
	v3 =	vand.u32 $0x79, v3;
	[tilespmem:s24+$0xFFFFFF80] =	vst v4;
	v8 =	vand.u32 $0x7F, v8  }
0xe5: {  	v1 =	vand.u32 $0x7E, v1;
	v4 =	vmov s30;
	s30 =	simm.s32 $0x4;
	[tilespmem:s24+$0x0] =	vst v5;
	v8 =	vbroadcast v8, $0x0  }
0xe6: {  	v3 =	vbroadcast v3, $0x0;
	v5 =	vmov s30;
	v4 =	vand.u32 $0x7A, v4;
	[tilespmem:s24+$0x80] =	vst v6  }
0xe7: {  	s31 =	simm.s32 $0x5;
	v4 =	vbroadcast v4, $0x0;
	v5 =	vand.u32 $0x7C, v5;
	[tilespmem:s24+$0x100] =	vst v7;
	v8 =	vor.u32 v0, v8  }
0xe8: {  	v3 =	vor.u32 v0, v3;
	v7 =	vand.u32 $0x7B, v9;
	v5 =	vbroadcast v5, $0x0;
	[tilespmem:s19], [sflag:$0x3] =	stream.strided.gather [hbm4b:s10+s15], $0x800, s18, s15, $0x38;
	[tilespmem:$0x9000] =	vst v63  }
0xe9: {  	v6 =	vmov s31;
	v7 =	vbroadcast v7, $0x0;
	v4 =	vor.u32 v0, v4;
	_ =	swait.ge [sflag:s20], $0x800  }
0xea: {  	v1 =	vbroadcast v1, $0x0;
	v6 =	vand.u32 $0x7D, v6;
	v5 =	vor.u32 v0, v5;
	[sflag:s20] =	ssyncset.done $0x0  }
0xeb: {  	s26 =	simm.s32 $0xF;
	v6 =	vbroadcast v6, $0x0;
	v7 =	vor.u32 v0, v7;
	[sflag:s20] =	ssyncadd.s32 $0xFFFFF800  }
0xec: {  	v57 =	vmov s26;
	v2 =	vand.u32 $0x78, v2;
	v1 =	vor.u32 v0, v1;
	v8 =	vld.idx.msk [tilespmem:v8+s16+$0x0], $0xffff  }
0xed: {  	s25 =	simm.s32 $0xA;
	v12 =	vand.u32 $0x7F, v57;
	v2 =	vbroadcast v2, $0x0;
	s31 =	simm.s32 $0x9;
	v6 =	vor.u32 v0, v6;
	v3 =	vld.idx.msk [tilespmem:v3+s16+$0x0], $0xffff  }
0xee: {  	v11 =	vmov s25;
	s26 =	simm.s32 $0xD;
	v12 =	vbroadcast v12, $0x0;
	v10 =	vmov s31;
	v4 =	vld.idx.msk [tilespmem:v4+s16+$0x0], $0xffff  }
0xef: {  	v60 =	vmov s26;
	s30 =	simm.s32 $0x8;
	v2 =	vor.u32 v0, v2;
	v10 =	vand.u32 $0x79, v10;
	v61 =	vld.idx.msk [tilespmem:v5+s16+$0x0], $0xffff  }
0xf0: {  	v9 =	vmov s30;
	s30 =	simm.s32 $0xB;
	s31 =	simm.s32 $0xC;
	v12 =	vor.u32 v0, v12;
	v5 =	vbroadcast v10, $0x0;
	v7 =	vld.idx.msk [tilespmem:v7+s16+$0x0], $0xffff  }
0xf1: {  	s24 =	simm.s32 $0x240;
	v58 =	vmov s30;
	v59 =	vmov s31;
	v63 =	vld.idx.msk [tilespmem:v1+s16+$0x0], $0xffff;
	v10 =	vand.u32 $0x7A, v11  }
0xf2: {  	s30 =	simm.s32 $0xE;
	v62 =	vld.idx.msk [tilespmem:v6+s16+$0x0], $0xffff;
	v6 =	vbroadcast v10, $0x0;
	v10 =	vand.u32 $0x7B, v58;
	v18 =	vor.u32 v0, v5;
	[tilespmem:s24+$0x180] =	vst v8  }
0xf3: {  	v1 =	vbroadcast v10, $0x0;
	v8 =	vmov s30;
	[tilespmem:s24+$0xFFFFFE80] =	vst v3;
	v3 =	vand.u32 $0x7C, v59  }
0xf4: {  	v5 =	vor.u32 v0, v6;
	v6 =	vand.u32 $0x7D, v60;
	[tilespmem:s24+$0xFFFFFF00] =	vst v4;
	v4 =	vbroadcast v3, $0x0;
	v3 =	vld.idx.msk [tilespmem:v2+s16+$0x0], $0xffff  }
0xf5: {  	v6 =	vbroadcast v6, $0x0;
	v8 =	vand.u32 $0x7E, v8;
	[tilespmem:s24+$0xFFFFFF80] =	vst v7;
	v7 =	vor.u32 v0, v1  }
0xf6: {  	[tilespmem:s24+$0x100] =	vst v63;
	v1 =	vand.u32 $0x78, v9;
	v9 =	vbroadcast v8, $0x0;
	v8 =	vor.u32 v0, v4  }
0xf7: {  	s25 =	simm.s32 $0x10;
	s31 =	simm.s32 $0x11;
	v2 =	vld.idx.msk [tilespmem:v12+s16+$0x0], $0xffff;
	[tilespmem:s24+$0x0] =	vst v61;
	v6 =	vor.u32 v0, v6;
	v11 =	vbroadcast v1, $0x0  }
0xf8: {  	s29 =	simm.s32 $0x12;
	s28 =	simm.s32 $0x17;
	s26 =	simm.s32 $0x18;
	v10 =	vmov s31;
	[tilespmem:s24+$0x80] =	vst v62;
	v1 =	vmov s25;
	v4 =	vld.idx.msk [tilespmem:v18+s16+$0x0], $0xffff;
	v9 =	vor.u32 v0, v9  }
.LBB2_10:
0xf9: {  	p0 =	slt.u32 s26, $0x78;
	v12 =	vmov s29;
	s29 =	sadd.s32 $0x3, s25;
	s30 =	sadd.s32 $0x4, s25;
	v13 =	vmov s28;
	v11 =	vor.u32 v0, v11;
	v14 =	vld.idx.msk [tilespmem:v5+s16+$0x0], $0xffff;
	[tilespmem:s24+$0xFFFFFE00] =	vst v3  }
0xfa: {  	s28 =	sadd.s32 $0x5, s25;
	v3 =	vmov s29;
	v5 =	vmov s30;
	v13 =	vand.u32 $0x7F, v13;
	v15 =	vld.idx.msk [tilespmem:v7+s16+$0x0], $0xffff  }
0xfb: {  	v7 =	vand.u32 $0x79, v10;
	v10 =	vmov s28;
	s28 =	sadd.s32 $0x6, s25;
	s25 =	smov.u32 s26;
	v13 =	vbroadcast v13, $0x0;
	v16 =	vld.idx.msk [tilespmem:v8+s16+$0x0], $0xffff  }
0xfc: {  	s24 =	sadd.s32 $0x400, s24;
	v7 =	vbroadcast v7, $0x0;
	v8 =	vand.u32 $0x7A, v12;
	v12 =	vmov s28;
	v17 =	vld.idx.msk [tilespmem:v6+s16+$0x0], $0xffff  }
0xfd: {  	v3 =	vand.u32 $0x7B, v3;
	v6 =	vbroadcast v8, $0x0;
	v13 =	vor.u32 v0, v13;
	v18 =	vld.idx.msk [tilespmem:v9+s16+$0x0], $0xffff;
	[tilespmem:s24+$0x180] =	vst v2  }
0xfe: {  	v9 =	vor.u32 v0, v7;
	v2 =	vbroadcast v3, $0x0;
	v7 =	vand.u32 $0x7C, v5;
	v3 =	vld.idx.msk [tilespmem:v11+s16+$0x0], $0xffff;
	[tilespmem:s24+$0xFFFFFE80] =	vst v4  }
.Ltmp4:
0xff: {  	v5 =	vor.u32 v0, v6;
	v4 =	vbroadcast v7, $0x0;
	v6 =	vand.u32 $0x7D, v10;
	[tilespmem:s24+$0xFFFFFF00] =	vst v14;
	(pc) =	sbr.rel @p0 .LBB2_10-.Ltmp4, $4  }
0x100: {  	v7 =	vor.u32 v0, v2;
	v2 =	vbroadcast v6, $0x0;
	v6 =	vand.u32 $0x7E, v12;
	[tilespmem:s24+$0xFFFFFF80] =	vst v15  }
0x101: {  	v1 =	vand.u32 $0x78, v1;
	v8 =	vor.u32 v0, v4;
	v12 =	vbroadcast v6, $0x0;
	[tilespmem:s24+$0x0] =	vst v16  }
0x102: {  	s28 =	sadd.s32 $0x1, s26;
	v11 =	vbroadcast v1, $0x0;
	v6 =	vor.u32 v0, v2;
	v2 =	vld.idx.msk [tilespmem:v13+s16+$0x0], $0xffff;
	[tilespmem:s24+$0x80] =	vst v17  }
0x103: {  	s29 =	sadd.s32 $0x2, s25;
	s26 =	sadd.s32 $0x8, s26;
	v1 =	vmov s25;
	v10 =	vmov s28;
	s28 =	sadd.s32 $0x7, s25;
	v4 =	vld.idx.msk [tilespmem:v9+s16+$0x0], $0xffff;
	v9 =	vor.u32 v0, v12;
	[tilespmem:s24+$0x100] =	vst v18  }
0x104: {  	_ = 	snop  }
0x105: {  	v12 =	vmov s29;
	s26 =	sadd.s32 $0x3, s25;
	v13 =	vmov s28;
	v11 =	vor.u32 v0, v11  }
0x106: {  	s29 =	sadd.s32 $0x4, s25;
	v10 =	vand.u32 $0x79, v10;
	v1 =	vand.u32 $0x78, v1;
	v14 =	vmov s26  }
0x107: {  	s30 =	sadd.s32 $0x5, s25;
	v15 =	vmov s29;
	v13 =	vand.u32 $0x7F, v13;
	v10 =	vbroadcast v10, $0x0  }
0x108: {  	s31 =	sadd.s32 $0x6, s25;
	v5 =	vld.idx.msk [tilespmem:v5+s16+$0x0], $0xffff;
	v16 =	vmov s30;
	v12 =	vand.u32 $0x7A, v12;
	v1 =	vbroadcast v1, $0x0  }
0x109: {  	[tilespmem:s24+$0xFFFFFE00] =	vst v3;
	v3 =	vld.idx.msk [tilespmem:v8+s16+$0x0], $0xffff;
	v17 =	vmov s31;
	v13 =	vbroadcast v13, $0x0;
	v8 =	vor.u32 v0, v10  }
0x10a: {  	v7 =	vld.idx.msk [tilespmem:v7+s16+$0x0], $0xffff;
	s26 =	sadd.s32 $0x400, s24;
	v12 =	vbroadcast v12, $0x0;
	v14 =	vand.u32 $0x7B, v14;
	v1 =	vor.u32 v0, v1  }
0x10b: {  	v6 =	vld.idx.msk [tilespmem:v6+s16+$0x0], $0xffff;
	v52 =	vand.u32 $0x7C, v15;
	v10 =	vbroadcast v14, $0x0;
	[tilespmem:s26+$0x180] =	vst v2;
	v13 =	vor.u32 v0, v13  }
0x10c: {  	v9 =	vld.idx.msk [tilespmem:v9+s16+$0x0], $0xffff;
	v54 =	vand.u32 $0x7D, v16;
	v53 =	vbroadcast v52, $0x0;
	v2 =	vor.u32 v0, v12;
	[tilespmem:s26+$0xFFFFFE80] =	vst v4  }
0x10d: {  	v55 =	vand.u32 $0x7E, v17;
	v4 =	vor.u32 v0, v10;
	v10 =	vbroadcast v54, $0x0;
	v11 =	vld.idx.msk [tilespmem:v11+s16+$0x0], $0xffff;
	[tilespmem:s26+$0xFFFFFF00] =	vst v5  }
0x10e: {  	v56 =	vbroadcast v55, $0x0;
	v5 =	vor.u32 v0, v53;
	[tilespmem:s26+$0x0] =	vst v3;
	v3 =	vld.idx.msk [tilespmem:v8+s16+$0x0], $0xffff  }
0x10f: {  	[tilespmem:s26+$0xFFFFFF80] =	vst v7;
	v7 =	vor.u32 v0, v10;
	v1 =	vld.idx.msk [tilespmem:v1+s16+$0x0], $0xffff  }
0x110: {  	[tilespmem:s26+$0x80] =	vst v6;
	v8 =	vor.u32 v0, v56;
	v10 =	vld.idx.msk [tilespmem:v13+s16+$0x0], $0xffff  }
0x111: {  	[tilespmem:s26+$0x100] =	vst v9;
	v2 =	vld.idx.msk [tilespmem:v2+s16+$0x0], $0xffff  }
0x112: {  	s24 =	sadd.s32 $0x400, s26;
	v4 =	vld.idx.msk [tilespmem:v4+s16+$0x0], $0xffff;
	[tilespmem:s26+$0xFFFFFE00] =	vst v11  }
0x113: {  	v5 =	vld.idx.msk [tilespmem:v5+s16+$0x0], $0xffff;
	[tilespmem:s24+$0xFFFFFE80] =	vst v3  }
0x114: {  	s31 =	simm.s32 $0x1;
	v6 =	vld.idx.msk [tilespmem:v7+s16+$0x0], $0xffff;
	[tilespmem:s24+$0xFFFFFE00] =	vst v1  }
0x115: {  	s28 =	simm.s32 $0x3;
	s26 =	simm.s32 $0x6;
	v7 =	vld.idx.msk [tilespmem:v8+s16+$0x0], $0xffff;
	v3 =	vmov s31;
	s31 =	simm.s32 $0x7;
	[tilespmem:s24+$0x180] =	vst v10  }
0x116: {  	s30 =	simm.s32 $0x0;
	v9 =	vmov s28;
	v1 =	vmov s26;
	[tilespmem:s24+$0xFFFFFF00] =	vst v2;
	v8 =	vmov s31  }
0x117: {  	v2 =	vmov s30;
	s30 =	simm.s32 $0x2;
	v3 =	vand.u32 $0x79, v3;
	[tilespmem:s24+$0xFFFFFF80] =	vst v4;
	v8 =	vand.u32 $0x7F, v8  }
0x118: {  	v1 =	vand.u32 $0x7E, v1;
	v4 =	vmov s30;
	s30 =	simm.s32 $0x4;
	[tilespmem:s24+$0x0] =	vst v5;
	v8 =	vbroadcast v8, $0x0  }
0x119: {  	v3 =	vbroadcast v3, $0x0;
	v5 =	vmov s30;
	v4 =	vand.u32 $0x7A, v4;
	[tilespmem:s24+$0x80] =	vst v6  }
0x11a: {  	s31 =	simm.s32 $0x5;
	v4 =	vbroadcast v4, $0x0;
	v5 =	vand.u32 $0x7C, v5;
	[tilespmem:s24+$0x100] =	vst v7;
	v8 =	vor.u32 v0, v8  }
0x11b: {  	v3 =	vor.u32 v0, v3;
	v7 =	vand.u32 $0x7B, v9;
	v5 =	vbroadcast v5, $0x0;
	[tilespmem:s16], [sflag:$0x3] =	stream.strided.gather [hbm4b:s11+s15], $0x800, s18, s15, $0x38;
	[tilespmem:$0x9000] =	vst v63  }
0x11c: {  	v6 =	vmov s31;
	v7 =	vbroadcast v7, $0x0;
	v4 =	vor.u32 v0, v4;
	_ =	swait.ge [sflag:s20], $0x800  }
0x11d: {  	v1 =	vbroadcast v1, $0x0;
	v6 =	vand.u32 $0x7D, v6;
	v5 =	vor.u32 v0, v5;
	[sflag:s20] =	ssyncset.done $0x0  }
0x11e: {  	s26 =	simm.s32 $0xF;
	v6 =	vbroadcast v6, $0x0;
	v7 =	vor.u32 v0, v7;
	[sflag:s20] =	ssyncadd.s32 $0xFFFFF800  }
0x11f: {  	v57 =	vmov s26;
	v2 =	vand.u32 $0x78, v2;
	v1 =	vor.u32 v0, v1;
	v8 =	vld.idx.msk [tilespmem:v8+s19+$0x0], $0xffff  }
0x120: {  	s25 =	simm.s32 $0xA;
	v12 =	vand.u32 $0x7F, v57;
	v2 =	vbroadcast v2, $0x0;
	s31 =	simm.s32 $0x9;
	v6 =	vor.u32 v0, v6;
	v3 =	vld.idx.msk [tilespmem:v3+s19+$0x0], $0xffff  }
0x121: {  	v11 =	vmov s25;
	s26 =	simm.s32 $0xD;
	v12 =	vbroadcast v12, $0x0;
	v10 =	vmov s31;
	v4 =	vld.idx.msk [tilespmem:v4+s19+$0x0], $0xffff  }
0x122: {  	v60 =	vmov s26;
	s30 =	simm.s32 $0x8;
	v2 =	vor.u32 v0, v2;
	v10 =	vand.u32 $0x79, v10;
	v61 =	vld.idx.msk [tilespmem:v5+s19+$0x0], $0xffff  }
0x123: {  	v9 =	vmov s30;
	s30 =	simm.s32 $0xB;
	s31 =	simm.s32 $0xC;
	v12 =	vor.u32 v0, v12;
	v5 =	vbroadcast v10, $0x0;
	v7 =	vld.idx.msk [tilespmem:v7+s19+$0x0], $0xffff  }
0x124: {  	s24 =	simm.s32 $0x250;
	v58 =	vmov s30;
	v59 =	vmov s31;
	v63 =	vld.idx.msk [tilespmem:v1+s19+$0x0], $0xffff;
	v10 =	vand.u32 $0x7A, v11  }
0x125: {  	s30 =	simm.s32 $0xE;
	v62 =	vld.idx.msk [tilespmem:v6+s19+$0x0], $0xffff;
	v6 =	vbroadcast v10, $0x0;
	v10 =	vand.u32 $0x7B, v58;
	v18 =	vor.u32 v0, v5;
	[tilespmem:s24+$0x180] =	vst v8  }
0x126: {  	v1 =	vbroadcast v10, $0x0;
	v8 =	vmov s30;
	[tilespmem:s24+$0xFFFFFE80] =	vst v3;
	v3 =	vand.u32 $0x7C, v59  }
0x127: {  	v5 =	vor.u32 v0, v6;
	v6 =	vand.u32 $0x7D, v60;
	[tilespmem:s24+$0xFFFFFF00] =	vst v4;
	v4 =	vbroadcast v3, $0x0;
	v3 =	vld.idx.msk [tilespmem:v2+s19+$0x0], $0xffff  }
0x128: {  	v6 =	vbroadcast v6, $0x0;
	v8 =	vand.u32 $0x7E, v8;
	[tilespmem:s24+$0xFFFFFF80] =	vst v7;
	v7 =	vor.u32 v0, v1  }
0x129: {  	[tilespmem:s24+$0x100] =	vst v63;
	v1 =	vand.u32 $0x78, v9;
	v9 =	vbroadcast v8, $0x0;
	v8 =	vor.u32 v0, v4  }
0x12a: {  	s25 =	simm.s32 $0x10;
	s31 =	simm.s32 $0x11;
	v2 =	vld.idx.msk [tilespmem:v12+s19+$0x0], $0xffff;
	[tilespmem:s24+$0x0] =	vst v61;
	v6 =	vor.u32 v0, v6;
	v11 =	vbroadcast v1, $0x0  }
0x12b: {  	s29 =	simm.s32 $0x12;
	s28 =	simm.s32 $0x17;
	s26 =	simm.s32 $0x18;
	v10 =	vmov s31;
	[tilespmem:s24+$0x80] =	vst v62;
	v1 =	vmov s25;
	v4 =	vld.idx.msk [tilespmem:v18+s19+$0x0], $0xffff;
	v9 =	vor.u32 v0, v9  }
.LBB2_12:
0x12c: {  	p0 =	slt.u32 s26, $0x78;
	v12 =	vmov s29;
	s29 =	sadd.s32 $0x3, s25;
	s30 =	sadd.s32 $0x4, s25;
	v13 =	vmov s28;
	v11 =	vor.u32 v0, v11;
	v14 =	vld.idx.msk [tilespmem:v5+s19+$0x0], $0xffff;
	[tilespmem:s24+$0xFFFFFE00] =	vst v3  }
0x12d: {  	s28 =	sadd.s32 $0x5, s25;
	v3 =	vmov s29;
	v5 =	vmov s30;
	v13 =	vand.u32 $0x7F, v13;
	v15 =	vld.idx.msk [tilespmem:v7+s19+$0x0], $0xffff  }
0x12e: {  	v7 =	vand.u32 $0x79, v10;
	v10 =	vmov s28;
	s28 =	sadd.s32 $0x6, s25;
	s25 =	smov.u32 s26;
	v13 =	vbroadcast v13, $0x0;
	v16 =	vld.idx.msk [tilespmem:v8+s19+$0x0], $0xffff  }
0x12f: {  	s24 =	sadd.s32 $0x400, s24;
	v7 =	vbroadcast v7, $0x0;
	v8 =	vand.u32 $0x7A, v12;
	v12 =	vmov s28;
	v17 =	vld.idx.msk [tilespmem:v6+s19+$0x0], $0xffff  }
0x130: {  	v3 =	vand.u32 $0x7B, v3;
	v6 =	vbroadcast v8, $0x0;
	v13 =	vor.u32 v0, v13;
	v18 =	vld.idx.msk [tilespmem:v9+s19+$0x0], $0xffff;
	[tilespmem:s24+$0x180] =	vst v2  }
0x131: {  	v9 =	vor.u32 v0, v7;
	v2 =	vbroadcast v3, $0x0;
	v7 =	vand.u32 $0x7C, v5;
	v3 =	vld.idx.msk [tilespmem:v11+s19+$0x0], $0xffff;
	[tilespmem:s24+$0xFFFFFE80] =	vst v4  }
.Ltmp5:
0x132: {  	v5 =	vor.u32 v0, v6;
	v4 =	vbroadcast v7, $0x0;
	v6 =	vand.u32 $0x7D, v10;
	[tilespmem:s24+$0xFFFFFF00] =	vst v14;
	(pc) =	sbr.rel @p0 .LBB2_12-.Ltmp5, $4  }
0x133: {  	v7 =	vor.u32 v0, v2;
	v2 =	vbroadcast v6, $0x0;
	v6 =	vand.u32 $0x7E, v12;
	[tilespmem:s24+$0xFFFFFF80] =	vst v15  }
0x134: {  	v1 =	vand.u32 $0x78, v1;
	v8 =	vor.u32 v0, v4;
	v12 =	vbroadcast v6, $0x0;
	[tilespmem:s24+$0x0] =	vst v16  }
0x135: {  	s28 =	sadd.s32 $0x1, s26;
	v11 =	vbroadcast v1, $0x0;
	v6 =	vor.u32 v0, v2;
	v2 =	vld.idx.msk [tilespmem:v13+s19+$0x0], $0xffff;
	[tilespmem:s24+$0x80] =	vst v17  }
0x136: {  	s29 =	sadd.s32 $0x2, s25;
	s26 =	sadd.s32 $0x8, s26;
	v1 =	vmov s25;
	v10 =	vmov s28;
	s28 =	sadd.s32 $0x7, s25;
	v4 =	vld.idx.msk [tilespmem:v9+s19+$0x0], $0xffff;
	v9 =	vor.u32 v0, v12;
	[tilespmem:s24+$0x100] =	vst v18  }
0x137: {  	_ = 	snop  }
0x138: {  	v12 =	vmov s29;
	s26 =	sadd.s32 $0x3, s25;
	v13 =	vmov s28;
	v11 =	vor.u32 v0, v11  }
0x139: {  	s29 =	sadd.s32 $0x4, s25;
	v10 =	vand.u32 $0x79, v10;
	v1 =	vand.u32 $0x78, v1;
	v14 =	vmov s26  }
0x13a: {  	s30 =	sadd.s32 $0x5, s25;
	v15 =	vmov s29;
	v13 =	vand.u32 $0x7F, v13;
	v10 =	vbroadcast v10, $0x0  }
0x13b: {  	s31 =	sadd.s32 $0x6, s25;
	v5 =	vld.idx.msk [tilespmem:v5+s19+$0x0], $0xffff;
	v16 =	vmov s30;
	v12 =	vand.u32 $0x7A, v12;
	v1 =	vbroadcast v1, $0x0  }
0x13c: {  	[tilespmem:s24+$0xFFFFFE00] =	vst v3;
	v3 =	vld.idx.msk [tilespmem:v8+s19+$0x0], $0xffff;
	v17 =	vmov s31;
	v13 =	vbroadcast v13, $0x0;
	v8 =	vor.u32 v0, v10  }
0x13d: {  	v7 =	vld.idx.msk [tilespmem:v7+s19+$0x0], $0xffff;
	s26 =	sadd.s32 $0x400, s24;
	v12 =	vbroadcast v12, $0x0;
	v14 =	vand.u32 $0x7B, v14;
	v1 =	vor.u32 v0, v1  }
0x13e: {  	v6 =	vld.idx.msk [tilespmem:v6+s19+$0x0], $0xffff;
	v52 =	vand.u32 $0x7C, v15;
	v10 =	vbroadcast v14, $0x0;
	[tilespmem:s26+$0x180] =	vst v2;
	v13 =	vor.u32 v0, v13  }
0x13f: {  	v9 =	vld.idx.msk [tilespmem:v9+s19+$0x0], $0xffff;
	v54 =	vand.u32 $0x7D, v16;
	v53 =	vbroadcast v52, $0x0;
	v2 =	vor.u32 v0, v12;
	[tilespmem:s26+$0xFFFFFE80] =	vst v4  }
0x140: {  	v55 =	vand.u32 $0x7E, v17;
	v4 =	vor.u32 v0, v10;
	v10 =	vbroadcast v54, $0x0;
	v11 =	vld.idx.msk [tilespmem:v11+s19+$0x0], $0xffff;
	[tilespmem:s26+$0xFFFFFF00] =	vst v5  }
0x141: {  	v56 =	vbroadcast v55, $0x0;
	v5 =	vor.u32 v0, v53;
	[tilespmem:s26+$0x0] =	vst v3;
	v3 =	vld.idx.msk [tilespmem:v8+s19+$0x0], $0xffff  }
0x142: {  	[tilespmem:s26+$0xFFFFFF80] =	vst v7;
	v7 =	vor.u32 v0, v10;
	v1 =	vld.idx.msk [tilespmem:v1+s19+$0x0], $0xffff  }
0x143: {  	[tilespmem:s26+$0x80] =	vst v6;
	v8 =	vor.u32 v0, v56;
	v10 =	vld.idx.msk [tilespmem:v13+s19+$0x0], $0xffff  }
0x144: {  	[tilespmem:s26+$0x100] =	vst v9;
	v2 =	vld.idx.msk [tilespmem:v2+s19+$0x0], $0xffff  }
0x145: {  	s24 =	sadd.s32 $0x400, s26;
	v4 =	vld.idx.msk [tilespmem:v4+s19+$0x0], $0xffff;
	[tilespmem:s26+$0xFFFFFE00] =	vst v11  }
0x146: {  	v5 =	vld.idx.msk [tilespmem:v5+s19+$0x0], $0xffff;
	[tilespmem:s24+$0xFFFFFE80] =	vst v3  }
0x147: {  	s31 =	simm.s32 $0x1;
	v6 =	vld.idx.msk [tilespmem:v7+s19+$0x0], $0xffff;
	[tilespmem:s24+$0xFFFFFE00] =	vst v1  }
0x148: {  	s28 =	simm.s32 $0x3;
	s26 =	simm.s32 $0x6;
	v7 =	vld.idx.msk [tilespmem:v8+s19+$0x0], $0xffff;
	v3 =	vmov s31;
	s31 =	simm.s32 $0x7;
	[tilespmem:s24+$0x180] =	vst v10  }
0x149: {  	s30 =	simm.s32 $0x0;
	v9 =	vmov s28;
	v1 =	vmov s26;
	[tilespmem:s24+$0xFFFFFF00] =	vst v2;
	v8 =	vmov s31  }
0x14a: {  	v2 =	vmov s30;
	s30 =	simm.s32 $0x2;
	v3 =	vand.u32 $0x79, v3;
	[tilespmem:s24+$0xFFFFFF80] =	vst v4;
	v8 =	vand.u32 $0x7F, v8  }
0x14b: {  	v1 =	vand.u32 $0x7E, v1;
	v4 =	vmov s30;
	s30 =	simm.s32 $0x4;
	[tilespmem:s24+$0x0] =	vst v5;
	v8 =	vbroadcast v8, $0x0  }
0x14c: {  	v3 =	vbroadcast v3, $0x0;
	v5 =	vmov s30;
	v4 =	vand.u32 $0x7A, v4;
	[tilespmem:s24+$0x80] =	vst v6  }
0x14d: {  	s31 =	simm.s32 $0x5;
	v4 =	vbroadcast v4, $0x0;
	v5 =	vand.u32 $0x7C, v5;
	[tilespmem:s24+$0x100] =	vst v7;
	v8 =	vor.u32 v0, v8  }
0x14e: {  	v3 =	vor.u32 v0, v3;
	v7 =	vand.u32 $0x7B, v9;
	v5 =	vbroadcast v5, $0x0;
	[tilespmem:s19], [sflag:$0x3] =	stream.strided.gather [hbm4b:s12+s15], $0x800, s18, s15, $0x38;
	[tilespmem:$0x9000] =	vst v63  }
0x14f: {  	v6 =	vmov s31;
	v7 =	vbroadcast v7, $0x0;
	v4 =	vor.u32 v0, v4;
	_ =	swait.ge [sflag:s20], $0x800  }
0x150: {  	v1 =	vbroadcast v1, $0x0;
	v6 =	vand.u32 $0x7D, v6;
	v5 =	vor.u32 v0, v5;
	[sflag:s20] =	ssyncset.done $0x0  }
0x151: {  	s26 =	simm.s32 $0xF;
	v6 =	vbroadcast v6, $0x0;
	v7 =	vor.u32 v0, v7;
	[sflag:s20] =	ssyncadd.s32 $0xFFFFF800  }
0x152: {  	v57 =	vmov s26;
	v2 =	vand.u32 $0x78, v2;
	v1 =	vor.u32 v0, v1;
	v8 =	vld.idx.msk [tilespmem:v8+s16+$0x0], $0xffff  }
0x153: {  	s25 =	simm.s32 $0xA;
	v12 =	vand.u32 $0x7F, v57;
	v2 =	vbroadcast v2, $0x0;
	s31 =	simm.s32 $0x9;
	v6 =	vor.u32 v0, v6;
	v3 =	vld.idx.msk [tilespmem:v3+s16+$0x0], $0xffff  }
0x154: {  	v11 =	vmov s25;
	s26 =	simm.s32 $0xD;
	v12 =	vbroadcast v12, $0x0;
	v10 =	vmov s31;
	v4 =	vld.idx.msk [tilespmem:v4+s16+$0x0], $0xffff  }
0x155: {  	v60 =	vmov s26;
	s30 =	simm.s32 $0x8;
	v2 =	vor.u32 v0, v2;
	v10 =	vand.u32 $0x79, v10;
	v61 =	vld.idx.msk [tilespmem:v5+s16+$0x0], $0xffff  }
0x156: {  	v9 =	vmov s30;
	s30 =	simm.s32 $0xB;
	s31 =	simm.s32 $0xC;
	v12 =	vor.u32 v0, v12;
	v5 =	vbroadcast v10, $0x0;
	v7 =	vld.idx.msk [tilespmem:v7+s16+$0x0], $0xffff  }
0x157: {  	s24 =	simm.s32 $0x260;
	v58 =	vmov s30;
	v59 =	vmov s31;
	v63 =	vld.idx.msk [tilespmem:v1+s16+$0x0], $0xffff;
	v10 =	vand.u32 $0x7A, v11  }
0x158: {  	s30 =	simm.s32 $0xE;
	v62 =	vld.idx.msk [tilespmem:v6+s16+$0x0], $0xffff;
	v6 =	vbroadcast v10, $0x0;
	v10 =	vand.u32 $0x7B, v58;
	v18 =	vor.u32 v0, v5;
	[tilespmem:s24+$0x180] =	vst v8  }
0x159: {  	v1 =	vbroadcast v10, $0x0;
	v8 =	vmov s30;
	[tilespmem:s24+$0xFFFFFE80] =	vst v3;
	v3 =	vand.u32 $0x7C, v59  }
0x15a: {  	v5 =	vor.u32 v0, v6;
	v6 =	vand.u32 $0x7D, v60;
	[tilespmem:s24+$0xFFFFFF00] =	vst v4;
	v4 =	vbroadcast v3, $0x0;
	v3 =	vld.idx.msk [tilespmem:v2+s16+$0x0], $0xffff  }
0x15b: {  	v6 =	vbroadcast v6, $0x0;
	v8 =	vand.u32 $0x7E, v8;
	[tilespmem:s24+$0xFFFFFF80] =	vst v7;
	v7 =	vor.u32 v0, v1  }
0x15c: {  	[tilespmem:s24+$0x100] =	vst v63;
	v1 =	vand.u32 $0x78, v9;
	v9 =	vbroadcast v8, $0x0;
	v8 =	vor.u32 v0, v4  }
0x15d: {  	s25 =	simm.s32 $0x10;
	s31 =	simm.s32 $0x11;
	v2 =	vld.idx.msk [tilespmem:v12+s16+$0x0], $0xffff;
	[tilespmem:s24+$0x0] =	vst v61;
	v6 =	vor.u32 v0, v6;
	v11 =	vbroadcast v1, $0x0  }
0x15e: {  	s29 =	simm.s32 $0x12;
	s28 =	simm.s32 $0x17;
	s26 =	simm.s32 $0x18;
	v10 =	vmov s31;
	[tilespmem:s24+$0x80] =	vst v62;
	v1 =	vmov s25;
	v4 =	vld.idx.msk [tilespmem:v18+s16+$0x0], $0xffff;
	v9 =	vor.u32 v0, v9  }
.LBB2_14:
0x15f: {  	p0 =	slt.u32 s26, $0x78;
	v12 =	vmov s29;
	s29 =	sadd.s32 $0x3, s25;
	s30 =	sadd.s32 $0x4, s25;
	v13 =	vmov s28;
	v11 =	vor.u32 v0, v11;
	v14 =	vld.idx.msk [tilespmem:v5+s16+$0x0], $0xffff;
	[tilespmem:s24+$0xFFFFFE00] =	vst v3  }
0x160: {  	s28 =	sadd.s32 $0x5, s25;
	v3 =	vmov s29;
	v5 =	vmov s30;
	v13 =	vand.u32 $0x7F, v13;
	v15 =	vld.idx.msk [tilespmem:v7+s16+$0x0], $0xffff  }
0x161: {  	v7 =	vand.u32 $0x79, v10;
	v10 =	vmov s28;
	s28 =	sadd.s32 $0x6, s25;
	s25 =	smov.u32 s26;
	v13 =	vbroadcast v13, $0x0;
	v16 =	vld.idx.msk [tilespmem:v8+s16+$0x0], $0xffff  }
0x162: {  	s24 =	sadd.s32 $0x400, s24;
	v7 =	vbroadcast v7, $0x0;
	v8 =	vand.u32 $0x7A, v12;
	v12 =	vmov s28;
	v17 =	vld.idx.msk [tilespmem:v6+s16+$0x0], $0xffff  }
0x163: {  	v3 =	vand.u32 $0x7B, v3;
	v6 =	vbroadcast v8, $0x0;
	v13 =	vor.u32 v0, v13;
	v18 =	vld.idx.msk [tilespmem:v9+s16+$0x0], $0xffff;
	[tilespmem:s24+$0x180] =	vst v2  }
0x164: {  	v9 =	vor.u32 v0, v7;
	v2 =	vbroadcast v3, $0x0;
	v7 =	vand.u32 $0x7C, v5;
	v3 =	vld.idx.msk [tilespmem:v11+s16+$0x0], $0xffff;
	[tilespmem:s24+$0xFFFFFE80] =	vst v4  }
.Ltmp6:
0x165: {  	v5 =	vor.u32 v0, v6;
	v4 =	vbroadcast v7, $0x0;
	v6 =	vand.u32 $0x7D, v10;
	[tilespmem:s24+$0xFFFFFF00] =	vst v14;
	(pc) =	sbr.rel @p0 .LBB2_14-.Ltmp6, $4  }
0x166: {  	v7 =	vor.u32 v0, v2;
	v2 =	vbroadcast v6, $0x0;
	v6 =	vand.u32 $0x7E, v12;
	[tilespmem:s24+$0xFFFFFF80] =	vst v15  }
0x167: {  	v1 =	vand.u32 $0x78, v1;
	v8 =	vor.u32 v0, v4;
	v12 =	vbroadcast v6, $0x0;
	[tilespmem:s24+$0x0] =	vst v16  }
0x168: {  	s28 =	sadd.s32 $0x1, s26;
	v11 =	vbroadcast v1, $0x0;
	v6 =	vor.u32 v0, v2;
	v2 =	vld.idx.msk [tilespmem:v13+s16+$0x0], $0xffff;
	[tilespmem:s24+$0x80] =	vst v17  }
0x169: {  	s29 =	sadd.s32 $0x2, s25;
	s26 =	sadd.s32 $0x8, s26;
	v1 =	vmov s25;
	v10 =	vmov s28;
	s28 =	sadd.s32 $0x7, s25;
	v4 =	vld.idx.msk [tilespmem:v9+s16+$0x0], $0xffff;
	v9 =	vor.u32 v0, v12;
	[tilespmem:s24+$0x100] =	vst v18  }
0x16a: {  	_ = 	snop  }
0x16b: {  	v12 =	vmov s29;
	v13 =	vmov s28  }
0x16c: {  	s26 =	sadd.s32 $0x3, s25;
	s29 =	sadd.s32 $0x4, s25;
	v11 =	vor.u32 v0, v11;
	v10 =	vand.u32 $0x79, v10;
	v1 =	vand.u32 $0x78, v1  }
0x16d: {  	s30 =	sadd.s32 $0x5, s25;
	v14 =	vmov s26;
	v15 =	vmov s29;
	v10 =	vbroadcast v10, $0x0  }
0x16e: {  	v5 =	vld.idx.msk [tilespmem:v5+s16+$0x0], $0xffff;
	v13 =	vand.u32 $0x7F, v13;
	v16 =	vmov s30;
	v1 =	vbroadcast v1, $0x0  }
0x16f: {  	v7 =	vld.idx.msk [tilespmem:v7+s16+$0x0], $0xffff;
	v12 =	vand.u32 $0x7A, v12;
	v13 =	vbroadcast v13, $0x0;
	v10 =	vor.u32 v0, v10  }
0x170: {  	v8 =	vld.idx.msk [tilespmem:v8+s16+$0x0], $0xffff;
	v12 =	vbroadcast v12, $0x0;
	v14 =	vand.u32 $0x7B, v14;
	v1 =	vor.u32 v0, v1  }
0x171: {  	[tilespmem:s24+$0xFFFFFE00] =	vst v3;
	v3 =	vld.idx.msk [tilespmem:v6+s16+$0x0], $0xffff;
	s26 =	sadd.s32 $0x400, s24;
	v15 =	vand.u32 $0x7C, v15;
	v14 =	vbroadcast v14, $0x0;
	v13 =	vor.u32 v0, v13  }
0x172: {  	s31 =	sadd.s32 $0x6, s25;
	v9 =	vld.idx.msk [tilespmem:v9+s16+$0x0], $0xffff;
	v53 =	vand.u32 $0x7D, v16;
	v52 =	vbroadcast v15, $0x0;
	[tilespmem:s26+$0x180] =	vst v2;
	v6 =	vor.u32 v0, v12  }
0x173: {  	v17 =	vmov s31;
	v54 =	vbroadcast v53, $0x0;
	[tilespmem:s26+$0xFFFFFE80] =	vst v4;
	v2 =	vor.u32 v0, v14;
	v11 =	vld.idx.msk [tilespmem:v11+s16+$0x0], $0xffff  }
0x174: {  	v55 =	vand.u32 $0x7E, v17;
	v4 =	vor.u32 v0, v52;
	[tilespmem:s26+$0xFFFFFF80] =	vst v7;
	v7 =	vld.idx.msk [tilespmem:v10+s16+$0x0], $0xffff  }
0x175: {  	v56 =	vbroadcast v55, $0x0;
	[tilespmem:s26+$0xFFFFFF00] =	vst v5;
	v5 =	vor.u32 v0, v54;
	v1 =	vld.idx.msk [tilespmem:v1+s16+$0x0], $0xffff  }
0x176: {  	[tilespmem:s26+$0x0] =	vst v8;
	v13 =	vld.idx.msk [tilespmem:v13+s16+$0x0], $0xffff  }
0x177: {  	s31 =	simm.s32 $0x1;
	[tilespmem:s26+$0x80] =	vst v3;
	v10 =	vor.u32 v0, v56;
	v6 =	vld.idx.msk [tilespmem:v6+s16+$0x0], $0xffff  }
0x178: {  	[tilespmem:s26+$0x100] =	vst v9;
	v8 =	vmov s31;
	s31 =	simm.s32 $0x7;
	v2 =	vld.idx.msk [tilespmem:v2+s16+$0x0], $0xffff  }
0x179: {  	s24 =	sadd.s32 $0x400, s26;
	v9 =	vmov s31;
	v3 =	vld.idx.msk [tilespmem:v4+s16+$0x0], $0xffff;
	[tilespmem:s26+$0xFFFFFE00] =	vst v11  }
0x17a: {  	v9 =	vand.u32 $0x7F, v9;
	v4 =	vld.idx.msk [tilespmem:v5+s16+$0x0], $0xffff;
	[tilespmem:s24+$0xFFFFFE80] =	vst v7  }
0x17b: {  	v9 =	vbroadcast v9, $0x0;
	[tilespmem:s24+$0xFFFFFE00] =	vst v1  }
0x17c: {  	s30 =	simm.s32 $0x0;
	v5 =	vld.idx.msk [tilespmem:v10+s16+$0x0], $0xffff;
	[tilespmem:s24+$0x180] =	vst v13  }
0x17d: {  	s28 =	simm.s32 $0x3;
	v8 =	vand.u32 $0x79, v8;
	v9 =	vor.u32 v0, v9;
	v7 =	vmov s30;
	s30 =	simm.s32 $0x2;
	[tilespmem:s24+$0xFFFFFF00] =	vst v6  }
0x17e: {  	v10 =	vmov s28;
	v6 =	vmov s30;
	s30 =	simm.s32 $0x4;
	v7 =	vand.u32 $0x78, v7;
	[tilespmem:s24+$0xFFFFFF80] =	vst v2  }
0x17f: {  	s31 =	simm.s32 $0x5;
	v2 =	vmov s30;
	v6 =	vand.u32 $0x7A, v6;
	[tilespmem:s24+$0x80] =	vst v4;
	v4 =	vbroadcast v8, $0x0  }
0x180: {  	[tilespmem:s24+$0x0] =	vst v3;
	v3 =	vmov s31;
	v8 =	vand.u32 $0x7B, v10;
	v6 =	vbroadcast v6, $0x0  }
0x181: {  	v8 =	vbroadcast v8, $0x0;
	v2 =	vand.u32 $0x7C, v2;
	v1 =	vor.u32 v0, v4;
	[tilespmem:s24+$0x100] =	vst v5  }
0x182: {  	s26 =	simm.s32 $0x6;
	v3 =	vand.u32 $0x7D, v3;
	v2 =	vbroadcast v2, $0x0;
	v4 =	vor.u32 v0, v6;
	_ =	swait.ge [sflag:s20], $0x800  }
0x183: {  	v3 =	vbroadcast v3, $0x0;
	v5 =	vmov s26;
	v6 =	vor.u32 v0, v8;
	[sflag:s20] =	ssyncset.done $0x0  }
0x184: {  	s25 =	simm.s32 $0xA;
	v7 =	vbroadcast v7, $0x0;
	v5 =	vand.u32 $0x7E, v5;
	v2 =	vor.u32 v0, v2;
	[sflag:s20] =	ssyncadd.s32 $0xFFFFF800  }
0x185: {  	v11 =	vmov s25;
	s31 =	simm.s32 $0x9;
	v3 =	vor.u32 v0, v3;
	v5 =	vbroadcast v5, $0x0;
	v8 =	vld.idx.msk [tilespmem:v9+s19+$0x0], $0xffff  }
0x186: {  	v11 =	vand.u32 $0x7A, v11;
	v10 =	vmov s31;
	s31 =	simm.s32 $0xC;
	v7 =	vor.u32 v0, v7;
	s26 =	simm.s32 $0xF;
	v1 =	vld.idx.msk [tilespmem:v1+s19+$0x0], $0xffff  }
0x187: {  	s30 =	simm.s32 $0x8;
	v59 =	vmov s31;
	v57 =	vmov s26;
	v5 =	vor.u32 v0, v5;
	v4 =	vld.idx.msk [tilespmem:v4+s19+$0x0], $0xffff  }
0x188: {  	v10 =	vand.u32 $0x79, v10;
	v12 =	vand.u32 $0x7F, v57;
	v9 =	vmov s30;
	s30 =	simm.s32 $0xB;
	v6 =	vld.idx.msk [tilespmem:v6+s19+$0x0], $0xffff  }
0x189: {  	v10 =	vbroadcast v10, $0x0;
	s26 =	simm.s32 $0xD;
	v12 =	vbroadcast v12, $0x0;
	v58 =	vmov s30;
	v2 =	vld.idx.msk [tilespmem:v2+s19+$0x0], $0xffff  }
0x18a: {  	s24 =	simm.s32 $0x270;
	v60 =	vmov s26;
	v61 =	vld.idx.msk [tilespmem:v3+s19+$0x0], $0xffff;
	v3 =	vbroadcast v11, $0x0;
	v11 =	vand.u32 $0x7B, v58  }
0x18b: {  	v63 =	vor.u32 v0, v10;
	v12 =	vor.u32 v0, v12;
	v10 =	vbroadcast v11, $0x0;
	[tilespmem:s24+$0x180] =	vst v8  }
0x18c: {  	s30 =	simm.s32 $0xE;
	v62 =	vld.idx.msk [tilespmem:v5+s19+$0x0], $0xffff;
	[tilespmem:s24+$0xFFFFFE80] =	vst v1;
	v1 =	vand.u32 $0x7C, v59;
	v5 =	vor.u32 v0, v3;
	v3 =	vand.u32 $0x7D, v60  }
0x18d: {  	v8 =	vmov s30;
	[tilespmem:s24+$0xFFFFFF00] =	vst v4;
	v1 =	vbroadcast v1, $0x0;
	v4 =	vbroadcast v3, $0x0;
	v3 =	vld.idx.msk [tilespmem:v7+s19+$0x0], $0xffff  }
0x18e: {  	v8 =	vand.u32 $0x7E, v8;
	[tilespmem:s24+$0xFFFFFF80] =	vst v6;
	v7 =	vor.u32 v0, v10  }
0x18f: {  	v6 =	vand.u32 $0x78, v9;
	v9 =	vbroadcast v8, $0x0;
	[tilespmem:s24+$0x0] =	vst v2;
	v8 =	vor.u32 v0, v1  }
0x190: {  	s25 =	simm.s32 $0x10;
	s31 =	simm.s32 $0x11;
	v11 =	vbroadcast v6, $0x0;
	v2 =	vld.idx.msk [tilespmem:v12+s19+$0x0], $0xffff;
	[tilespmem:s24+$0x80] =	vst v61;
	v6 =	vor.u32 v0, v4  }
0x191: {  	s29 =	simm.s32 $0x12;
	s28 =	simm.s32 $0x17;
	s26 =	simm.s32 $0x18;
	v10 =	vmov s31;
	v1 =	vmov s25;
	v4 =	vld.idx.msk [tilespmem:v63+s19+$0x0], $0xffff;
	v9 =	vor.u32 v0, v9;
	[tilespmem:s24+$0x100] =	vst v62  }
.LBB2_16:
0x192: {  	p0 =	slt.u32 s26, $0x78;
	v12 =	vmov s29;
	s29 =	sadd.s32 $0x3, s25;
	s30 =	sadd.s32 $0x4, s25;
	v13 =	vmov s28;
	v11 =	vor.u32 v0, v11;
	v14 =	vld.idx.msk [tilespmem:v5+s19+$0x0], $0xffff;
	[tilespmem:s24+$0xFFFFFE00] =	vst v3  }
0x193: {  	s28 =	sadd.s32 $0x5, s25;
	v3 =	vmov s29;
	v5 =	vmov s30;
	v13 =	vand.u32 $0x7F, v13;
	v15 =	vld.idx.msk [tilespmem:v7+s19+$0x0], $0xffff  }
0x194: {  	v7 =	vand.u32 $0x79, v10;
	v10 =	vmov s28;
	s28 =	sadd.s32 $0x6, s25;
	s25 =	smov.u32 s26;
	v13 =	vbroadcast v13, $0x0;
	v16 =	vld.idx.msk [tilespmem:v8+s19+$0x0], $0xffff  }
0x195: {  	s24 =	sadd.s32 $0x400, s24;
	v7 =	vbroadcast v7, $0x0;
	v8 =	vand.u32 $0x7A, v12;
	v12 =	vmov s28;
	v17 =	vld.idx.msk [tilespmem:v6+s19+$0x0], $0xffff  }
0x196: {  	v3 =	vand.u32 $0x7B, v3;
	v6 =	vbroadcast v8, $0x0;
	v13 =	vor.u32 v0, v13;
	v18 =	vld.idx.msk [tilespmem:v9+s19+$0x0], $0xffff;
	[tilespmem:s24+$0x180] =	vst v2  }
0x197: {  	v9 =	vor.u32 v0, v7;
	v2 =	vbroadcast v3, $0x0;
	v7 =	vand.u32 $0x7C, v5;
	v3 =	vld.idx.msk [tilespmem:v11+s19+$0x0], $0xffff;
	[tilespmem:s24+$0xFFFFFE80] =	vst v4  }
.Ltmp7:
0x198: {  	v5 =	vor.u32 v0, v6;
	v4 =	vbroadcast v7, $0x0;
	v6 =	vand.u32 $0x7D, v10;
	[tilespmem:s24+$0xFFFFFF00] =	vst v14;
	(pc) =	sbr.rel @p0 .LBB2_16-.Ltmp7, $4  }
0x199: {  	v7 =	vor.u32 v0, v2;
	v2 =	vbroadcast v6, $0x0;
	v6 =	vand.u32 $0x7E, v12;
	[tilespmem:s24+$0xFFFFFF80] =	vst v15  }
0x19a: {  	v1 =	vand.u32 $0x78, v1;
	v8 =	vor.u32 v0, v4;
	v12 =	vbroadcast v6, $0x0;
	[tilespmem:s24+$0x0] =	vst v16  }
0x19b: {  	s28 =	sadd.s32 $0x1, s26;
	v11 =	vbroadcast v1, $0x0;
	v6 =	vor.u32 v0, v2;
	v2 =	vld.idx.msk [tilespmem:v13+s19+$0x0], $0xffff;
	[tilespmem:s24+$0x80] =	vst v17  }
0x19c: {  	s29 =	sadd.s32 $0x2, s25;
	s26 =	sadd.s32 $0x8, s26;
	v1 =	vmov s25;
	v10 =	vmov s28;
	s28 =	sadd.s32 $0x7, s25;
	v4 =	vld.idx.msk [tilespmem:v9+s19+$0x0], $0xffff;
	v9 =	vor.u32 v0, v12;
	[tilespmem:s24+$0x100] =	vst v18  }
0x19d: {  	_ = 	snop  }
0x19e: {  	v12 =	vmov s29;
	s26 =	sadd.s32 $0x3, s25;
	v13 =	vmov s28;
	v11 =	vor.u32 v0, v11  }
0x19f: {  	s31 =	sadd.s32 $0x4, s25;
	v10 =	vand.u32 $0x79, v10;
	v1 =	vand.u32 $0x78, v1;
	v14 =	vmov s26  }
0x1a0: {  	s29 =	sadd.s32 $0x5, s25;
	v15 =	vmov s31;
	v13 =	vand.u32 $0x7F, v13;
	v10 =	vbroadcast v10, $0x0  }
0x1a1: {  	s30 =	sadd.s32 $0x6, s25;
	v5 =	vld.idx.msk [tilespmem:v5+s19+$0x0], $0xffff;
	v16 =	vmov s29;
	v12 =	vand.u32 $0x7A, v12;
	v1 =	vbroadcast v1, $0x0  }
0x1a2: {  	[tilespmem:s24+$0xFFFFFE00] =	vst v3;
	v3 =	vld.idx.msk [tilespmem:v8+s19+$0x0], $0xffff;
	v17 =	vmov s30;
	v13 =	vbroadcast v13, $0x0;
	v35 =	vor.u32 v0, v10  }
0x1a3: {  	v7 =	vld.idx.msk [tilespmem:v7+s19+$0x0], $0xffff;
	s31 =	sadd.s32 $0x400, s24;
	v12 =	vbroadcast v12, $0x0;
	v14 =	vand.u32 $0x7B, v14;
	v1 =	vor.u32 v0, v1  }
0x1a4: {  	v6 =	vld.idx.msk [tilespmem:v6+s19+$0x0], $0xffff;
	v37 =	vand.u32 $0x7C, v15;
	v36 =	vbroadcast v14, $0x0;
	[tilespmem:s31+$0x180] =	vst v2;
	v13 =	vor.u32 v0, v13  }
0x1a5: {  	v9 =	vld.idx.msk [tilespmem:v9+s19+$0x0], $0xffff;
	v39 =	vand.u32 $0x7D, v16;
	v38 =	vbroadcast v37, $0x0;
	v2 =	vor.u32 v0, v12;
	[tilespmem:s31+$0xFFFFFE80] =	vst v4  }
0x1a6: {  	v42 =	vand.u32 $0x7E, v17;
	v41 =	vbroadcast v39, $0x0;
	v40 =	vor.u32 v0, v36;
	v11 =	vld.idx.msk [tilespmem:v11+s19+$0x0], $0xffff;
	[tilespmem:s31+$0xFFFFFF00] =	vst v5  }
0x1a7: {  	v44 =	vbroadcast v42, $0x0;
	v43 =	vor.u32 v0, v38;
	[tilespmem:s31+$0x0] =	vst v3;
	v3 =	vld.idx.msk [tilespmem:v35+s19+$0x0], $0xffff  }
0x1a8: {  	[tilespmem:s31+$0xFFFFFF80] =	vst v7;
	v45 =	vor.u32 v0, v41;
	v1 =	vld.idx.msk [tilespmem:v1+s19+$0x0], $0xffff  }
0x1a9: {  	v47 =	vor.u32 v0, v44;
	[tilespmem:s31+$0x80] =	vst v6;
	v46 =	vld.idx.msk [tilespmem:v13+s19+$0x0], $0xffff  }
0x1aa: {  	[tilespmem:s31+$0x100] =	vst v9;
	v2 =	vld.idx.msk [tilespmem:v2+s19+$0x0], $0xffff  }
0x1ab: {  	s24 =	sadd.s32 $0x400, s31;
	v4 =	vld.idx.msk [tilespmem:v40+s19+$0x0], $0xffff;
	[tilespmem:s31+$0xFFFFFE00] =	vst v11  }
0x1ac: {  	v5 =	vld.idx.msk [tilespmem:v43+s19+$0x0], $0xffff;
	[tilespmem:s24+$0xFFFFFE80] =	vst v3  }
0x1ad: {  	v48 =	vld.idx.msk [tilespmem:v45+s19+$0x0], $0xffff;
	[tilespmem:s24+$0xFFFFFE00] =	vst v1  }
0x1ae: {  	v49 =	vld.idx.msk [tilespmem:v47+s19+$0x0], $0xffff;
	[tilespmem:s24+$0x180] =	vst v46  }
0x1af: {  	[tilespmem:s24+$0xFFFFFF00] =	vst v2  }
0x1b0: {  	[tilespmem:s24+$0xFFFFFF80] =	vst v4  }
0x1b1: {  	[tilespmem:s24+$0x0] =	vst v5  }
0x1b2: {  	[tilespmem:s24+$0x80] =	vst v48  }
0x1b3: {  	[tilespmem:s24+$0x100] =	vst v49  }
0x1b4: {  	_ =	swait.ge [sflag:s3], $0x4000  }
0x1b5: {  	[sflag:s3] =	ssyncset.done $0x0  }
0x1b6: {  	s24 =	simm.s32 $0x0;
	[sflag:s3] =	ssyncadd.s32 $0xFFFFC000  }
0x1b7: {  	v1 =	vld [tilespmem:s24+$0x1F0]  }
0x1b8: {  	v2 =	vld [tilespmem:s24+$0x0]  }
0x1b9: {  	v3 =	vld [tilespmem:s24+$0x10]  }
0x1ba: {  	v50 =	vld [tilespmem:s24+$0x20]  }
0x1bb: {  	v51 =	vld [tilespmem:s24+$0x30]  }
0x1bc: {  	v52 =	vld [tilespmem:s24+$0x40]  }
0x1bd: {  	v53 =	vld [tilespmem:s24+$0x50]  }
0x1be: {  	v54 =	vld [tilespmem:s24+$0x60]  }
0x1bf: {  	v55 =	vld [tilespmem:s24+$0x70]  }
0x1c0: {  	v56 =	vld [tilespmem:s24+$0x80]  }
0x1c1: {  	v57 =	vld [tilespmem:s24+$0x90]  }
0x1c2: {  	v58 =	vld [tilespmem:s24+$0xA0]  }
0x1c3: {  	v59 =	vld [tilespmem:s24+$0xB0]  }
0x1c4: {  	v60 =	vld [tilespmem:s24+$0xC0]  }
0x1c5: {  	v61 =	vld [tilespmem:s24+$0xD0]  }
0x1c6: {  	v62 =	vld [tilespmem:s24+$0xE0]  }
0x1c7: {  	v63 =	vld [tilespmem:s24+$0xF0]  }
0x1c8: {  	v18 =	vld [tilespmem:s24+$0x100]  }
0x1c9: {  	v19 =	vld [tilespmem:s24+$0x110]  }
0x1ca: {  	v20 =	vld [tilespmem:s24+$0x120]  }
0x1cb: {  	v21 =	vld [tilespmem:s24+$0x130]  }
0x1cc: {  	v22 =	vld [tilespmem:s24+$0x140]  }
0x1cd: {  	v23 =	vld [tilespmem:s24+$0x150]  }
0x1ce: {  	v24 =	vld [tilespmem:s24+$0x160]  }
0x1cf: {  	v25 =	vld [tilespmem:s24+$0x170]  }
0x1d0: {  	v26 =	vld [tilespmem:s24+$0x180]  }
0x1d1: {  	v27 =	vld [tilespmem:s24+$0x190]  }
0x1d2: {  	v28 =	vld [tilespmem:s24+$0x1A0]  }
0x1d3: {  	v29 =	vld [tilespmem:s24+$0x1B0]  }
0x1d4: {  	v30 =	vld [tilespmem:s24+$0x1C0]  }
0x1d5: {  	v31 =	vld [tilespmem:s24+$0x1D0]  }
0x1d6: {  	[tilespmem:s24+$0x51F0] =	vst.add.f32.msk $0xffff, v1  }
0x1d7: {  	v1 =	vld [tilespmem:s24+$0x1E0]  }
0x1d8: {  	[tilespmem:s24+$0x5000] =	vst.add.f32.msk $0xffff, v2  }
0x1d9: {  	[tilespmem:s24+$0x5010] =	vst.add.f32.msk $0xffff, v3  }
0x1da: {  	[tilespmem:s24+$0x5020] =	vst.add.f32.msk $0xffff, v50  }
0x1db: {  	[tilespmem:s24+$0x5030] =	vst.add.f32.msk $0xffff, v51  }
0x1dc: {  	[tilespmem:s24+$0x5040] =	vst.add.f32.msk $0xffff, v52  }
0x1dd: {  	[tilespmem:s24+$0x5050] =	vst.add.f32.msk $0xffff, v53  }
0x1de: {  	[tilespmem:s24+$0x5060] =	vst.add.f32.msk $0xffff, v54  }
0x1df: {  	[tilespmem:s24+$0x5070] =	vst.add.f32.msk $0xffff, v55  }
0x1e0: {  	[tilespmem:s24+$0x5080] =	vst.add.f32.msk $0xffff, v56  }
0x1e1: {  	[tilespmem:s24+$0x5090] =	vst.add.f32.msk $0xffff, v57  }
0x1e2: {  	[tilespmem:s24+$0x50A0] =	vst.add.f32.msk $0xffff, v58  }
0x1e3: {  	[tilespmem:s24+$0x50B0] =	vst.add.f32.msk $0xffff, v59  }
0x1e4: {  	[tilespmem:s24+$0x50C0] =	vst.add.f32.msk $0xffff, v60  }
0x1e5: {  	[tilespmem:s24+$0x50D0] =	vst.add.f32.msk $0xffff, v61  }
0x1e6: {  	[tilespmem:s24+$0x50E0] =	vst.add.f32.msk $0xffff, v62  }
0x1e7: {  	[tilespmem:s24+$0x50F0] =	vst.add.f32.msk $0xffff, v63  }
0x1e8: {  	[tilespmem:s24+$0x5100] =	vst.add.f32.msk $0xffff, v18  }
0x1e9: {  	[tilespmem:s24+$0x5110] =	vst.add.f32.msk $0xffff, v19  }
0x1ea: {  	[tilespmem:s24+$0x5120] =	vst.add.f32.msk $0xffff, v20  }
0x1eb: {  	[tilespmem:s24+$0x5130] =	vst.add.f32.msk $0xffff, v21  }
0x1ec: {  	[tilespmem:s24+$0x5140] =	vst.add.f32.msk $0xffff, v22  }
0x1ed: {  	[tilespmem:s24+$0x5150] =	vst.add.f32.msk $0xffff, v23  }
0x1ee: {  	[tilespmem:s24+$0x5160] =	vst.add.f32.msk $0xffff, v24  }
0x1ef: {  	[tilespmem:s24+$0x5170] =	vst.add.f32.msk $0xffff, v25  }
0x1f0: {  	[tilespmem:s24+$0x5180] =	vst.add.f32.msk $0xffff, v26  }
0x1f1: {  	[tilespmem:s24+$0x5190] =	vst.add.f32.msk $0xffff, v27  }
0x1f2: {  	[tilespmem:s24+$0x51A0] =	vst.add.f32.msk $0xffff, v28  }
0x1f3: {  	[tilespmem:s24+$0x51B0] =	vst.add.f32.msk $0xffff, v29  }
0x1f4: {  	[tilespmem:s24+$0x51C0] =	vst.add.f32.msk $0xffff, v30  }
0x1f5: {  	s25 =	simm.s32 $0x0;
	s26 =	simm.s32 $0x800;
	[tilespmem:s24+$0x51D0] =	vst.add.f32.msk $0xffff, v31  }
.LBB2_18:
0x1f6: {  	s25 =	sadd.s32 $0x4, s25;
	[tilespmem:s24+$0x51E0] =	vst.add.f32.msk $0xffff, v1;
	s24 =	sshra.s32 s26, $0x2  }
0x1f7: {  	v1 =	vld [tilespmem:s24+$0x1F0];
	p0 =	slt.u32 s25, $0x7C  }
0x1f8: {  	v2 =	vld [tilespmem:s24+$0x0]  }
0x1f9: {  	v3 =	vld [tilespmem:s24+$0x10]  }
0x1fa: {  	v4 =	vld [tilespmem:s24+$0x20]  }
0x1fb: {  	v5 =	vld [tilespmem:s24+$0x30]  }
0x1fc: {  	[tilespmem:s24+$0x51F0] =	vst.add.f32.msk $0xffff, v1  }
0x1fd: {  	v6 =	vld [tilespmem:s24+$0x40]  }
0x1fe: {  	v7 =	vld [tilespmem:s24+$0x50]  }
0x1ff: {  	v8 =	vld [tilespmem:s24+$0x60]  }
0x200: {  	v9 =	vld [tilespmem:s24+$0x70]  }
0x201: {  	v10 =	vld [tilespmem:s24+$0x80]  }
0x202: {  	v11 =	vld [tilespmem:s24+$0x90]  }
0x203: {  	v12 =	vld [tilespmem:s24+$0xA0]  }
0x204: {  	v13 =	vld [tilespmem:s24+$0xB0]  }
0x205: {  	v14 =	vld [tilespmem:s24+$0xC0]  }
0x206: {  	v15 =	vld [tilespmem:s24+$0xD0]  }
0x207: {  	v16 =	vld [tilespmem:s24+$0xE0]  }
0x208: {  	v17 =	vld [tilespmem:s24+$0xF0]  }
0x209: {  	v18 =	vld [tilespmem:s24+$0x100]  }
0x20a: {  	v19 =	vld [tilespmem:s24+$0x110]  }
0x20b: {  	v20 =	vld [tilespmem:s24+$0x120]  }
0x20c: {  	v21 =	vld [tilespmem:s24+$0x130]  }
0x20d: {  	v22 =	vld [tilespmem:s24+$0x140]  }
0x20e: {  	v23 =	vld [tilespmem:s24+$0x150]  }
0x20f: {  	v24 =	vld [tilespmem:s24+$0x160]  }
0x210: {  	v25 =	vld [tilespmem:s24+$0x170]  }
0x211: {  	v26 =	vld [tilespmem:s24+$0x180]  }
0x212: {  	v27 =	vld [tilespmem:s24+$0x190]  }
0x213: {  	v28 =	vld [tilespmem:s24+$0x1A0]  }
0x214: {  	v29 =	vld [tilespmem:s24+$0x1B0]  }
0x215: {  	v30 =	vld [tilespmem:s24+$0x1C0]  }
0x216: {  	v31 =	vld [tilespmem:s24+$0x1D0]  }
0x217: {  	v1 =	vld [tilespmem:s24+$0x1E0]  }
0x218: {  	[tilespmem:s24+$0x5000] =	vst.add.f32.msk $0xffff, v2  }
0x219: {  	[tilespmem:s24+$0x5010] =	vst.add.f32.msk $0xffff, v3  }
0x21a: {  	[tilespmem:s24+$0x5020] =	vst.add.f32.msk $0xffff, v4  }
0x21b: {  	[tilespmem:s24+$0x5030] =	vst.add.f32.msk $0xffff, v5  }
0x21c: {  	[tilespmem:s24+$0x5040] =	vst.add.f32.msk $0xffff, v6  }
0x21d: {  	[tilespmem:s24+$0x5050] =	vst.add.f32.msk $0xffff, v7  }
0x21e: {  	[tilespmem:s24+$0x5060] =	vst.add.f32.msk $0xffff, v8  }
0x21f: {  	[tilespmem:s24+$0x5070] =	vst.add.f32.msk $0xffff, v9  }
0x220: {  	[tilespmem:s24+$0x5080] =	vst.add.f32.msk $0xffff, v10  }
0x221: {  	[tilespmem:s24+$0x5090] =	vst.add.f32.msk $0xffff, v11  }
0x222: {  	[tilespmem:s24+$0x50A0] =	vst.add.f32.msk $0xffff, v12  }
0x223: {  	[tilespmem:s24+$0x50B0] =	vst.add.f32.msk $0xffff, v13  }
0x224: {  	[tilespmem:s24+$0x50C0] =	vst.add.f32.msk $0xffff, v14  }
0x225: {  	[tilespmem:s24+$0x50D0] =	vst.add.f32.msk $0xffff, v15  }
0x226: {  	[tilespmem:s24+$0x50E0] =	vst.add.f32.msk $0xffff, v16  }
0x227: {  	[tilespmem:s24+$0x50F0] =	vst.add.f32.msk $0xffff, v17  }
0x228: {  	[tilespmem:s24+$0x5100] =	vst.add.f32.msk $0xffff, v18  }
0x229: {  	[tilespmem:s24+$0x5110] =	vst.add.f32.msk $0xffff, v19  }
0x22a: {  	[tilespmem:s24+$0x5120] =	vst.add.f32.msk $0xffff, v20  }
0x22b: {  	[tilespmem:s24+$0x5130] =	vst.add.f32.msk $0xffff, v21  }
0x22c: {  	[tilespmem:s24+$0x5140] =	vst.add.f32.msk $0xffff, v22  }
0x22d: {  	[tilespmem:s24+$0x5150] =	vst.add.f32.msk $0xffff, v23  }
0x22e: {  	[tilespmem:s24+$0x5160] =	vst.add.f32.msk $0xffff, v24  }
0x22f: {  	[tilespmem:s24+$0x5170] =	vst.add.f32.msk $0xffff, v25  }
0x230: {  	[tilespmem:s24+$0x5180] =	vst.add.f32.msk $0xffff, v26  }
.Ltmp8:
0x231: {  	[tilespmem:s24+$0x5190] =	vst.add.f32.msk $0xffff, v27;
	(pc) =	sbr.rel @p0 .LBB2_18-.Ltmp8, $4  }
0x232: {  	[tilespmem:s24+$0x51A0] =	vst.add.f32.msk $0xffff, v28  }
0x233: {  	[tilespmem:s24+$0x51B0] =	vst.add.f32.msk $0xffff, v29  }
0x234: {  	[tilespmem:s24+$0x51C0] =	vst.add.f32.msk $0xffff, v30  }
0x235: {  	s26 =	sadd.s32 $0x800, s26;
	[tilespmem:s24+$0x51D0] =	vst.add.f32.msk $0xffff, v31  }
0x236: {  	s23 =	sadd.s32 $0x1, s23  }
0x237: {  	p0 =	sne.s32 s23, s14  }
.Ltmp9:
0x238: {  	[tilespmem:s24+$0x51E0] =	vst.add.f32.msk $0xffff, v1;
	(pc) =	sbr.rel @p0 .LBB2_1-.Ltmp9, $4  }
0x239: {  	[hbm4b:s13+s15] =	stream.strided.scatter [tilespmem:s17], [sflag:$0x2], $0x4000, s21, s15, $0x38;
	[tilespmem:$0x9000] =	vst v63  }
0x23a: {  	_ =	swait.ge [sflag:s22], $0x4000  }
0x23b: {  	[sflag:s22] =	ssyncset.done $0x0  }
0x23c: {  	[sflag:s22] =	ssyncadd.s32 $0xFFFFC000  }
0x23d: {  	_ =	sfence.sel $0x180000  }
0x23e: {  	[bflag:$0x0] =	sbarrier.arrive $0xFFFF  }
0x23f: {  	p0 =	sne.s32 s0, $0x0;
	_ =	strace $0x90000047  }
0x240: {  	s0 =	sadd.s32 @!p0 $0x100000, s1;
	[bflag:$0x2] =	sbarrier.arrive $0xFFFF  }
0x241: {  	[sflag:s0] =	ssyncadd.tile.s32 @!p0 $0x1;
	_ =	shalt  }
.Lfunc_end2:
_tile_overlayer_lowered:
.L_overlay_start_2:
0x242: {  	(tag) =	ssettag $0x2  }
0x243: {  	s0 =	rddreg [dreg:$0x0];
	s2 =	stileid.u32  }
0x244: {  	s1 =	rddreg [dreg:$0x1];
	p0 =	sne.s32 s2, $0x0  }
0x245: {  	s3 =	rddreg [dreg:$0x2];
	[bflag:$0x3] =	sbarrier.arrive $0xFFFF;
	s2 =	simm.s32 @!p0 $0x1C04  }
0x246: {  	[timem:s3], [sflag:s2] =	dma.local @!p0 [hbm:s0], s1  }
0x247: {  	s0 =	simm.s32 @!p0 $0x4  }
0x248: {  	_ =	swait.ge @!p0 [sflag:s0], s1  }
0x249: {  	s1 =	ssub.s32 @!p0 $0x0, s1;
	[sflag:s0] =	ssyncset.done @!p0 $0x0  }
0x24a: {  	[sflag:s0] =	ssyncadd.s32 @!p0 s1  }
0x24b: {  	[bflag:$0x3] =	sbarrier.arrive $0xFFFF  }
0x24c: {  	_ =	shalt  }

</sc_bundles>
